<compile_context>
chip_gen: v7x
topology: tpu7x:2x2x1
jax: 0.10.2.dev20260603
libtpu: 0.0.44.dev20260713+nightly
codegen_flags: <defaults>
</compile_context>

<pallas_src>
import jax
import jax.numpy as jnp
from jax import lax
from jax.experimental import pallas as pl
from jax.experimental.pallas import tpu as pltpu
from jax.experimental.pallas import tpu_sc as plsc

B = 32
N = 100
GN = 1000
D = 256
ROWS = GN * B
NW = 16
RW = ROWS // NW
WIN = 72
IDXP = 2000
TOT = 1300
MROWS = 104
RBLK = 6400


def _idx_body(labels, flip, flipped, idx_out,
              flip_w, flipped_w, labels_v, idx_v, stsem):
    wid = lax.axis_index("s")
    r_base = wid * RW
    ilo = r_base >> 5
    ilo_al = pl.multiple_of(jnp.minimum(ilo & -8, GN - WIN), 8)

    d1 = pltpu.async_copy(flip.at[:, pl.ds(ilo_al, WIN)], flip_w, stsem)
    d2 = pltpu.async_copy(flipped.at[:, pl.ds(ilo_al, WIN)], flipped_w, stsem)
    d3 = pltpu.async_copy(labels, labels_v, stsem)
    d1.wait(); d2.wait(); d3.wait()

    iota = lax.iota(jnp.int32, 16)

    def idx_chunk(q, carry):
        r16 = r_base + q * 16 + iota
        b16 = r16 & 31
        i16 = jnp.minimum(r16 >> 5, GN - 1)
        fcol = i16 - ilo_al
        f16 = plsc.load_gather(flip_w, [b16, fcol])
        fl16 = plsc.load_gather(flipped_w, [b16, fcol])
        imod = i16 - 100 * ((i16 * 5243) >> 19)
        rep16 = plsc.load_gather(labels_v, [b16, imod])
        dn16 = jnp.where(f16 < 0.5, fl16, rep16)
        dn16 = jnp.minimum(jnp.maximum(dn16, 0), 90)
        idx_v[pl.ds(q * 16, 16)] = dn16
        return carry

    lax.fori_loop(0, IDXP // 16, idx_chunk, 0)
    pltpu.sync_copy(idx_v, idx_out.at[pl.ds(r_base, RW)])


def _idx_call(labels, flip, flipped):
    mesh = plsc.VectorSubcoreMesh(core_axis_name="c", subcore_axis_name="s", num_cores=1)
    return pl.kernel(
        _idx_body,
        out_type=jax.ShapeDtypeStruct((ROWS,), jnp.int32),
        mesh=mesh,
        scratch_types=[
            pltpu.VMEM((B, WIN), jnp.float32),
            pltpu.VMEM((B, WIN), jnp.int32),
            pltpu.VMEM((B, N), jnp.int32),
            pltpu.VMEM((IDXP,), jnp.int32),
            pltpu.SemaphoreType.DMA,
        ],
        compiler_params=pltpu.CompilerParams(
            use_tc_tiling_on_sc=False, needs_layout_passes=False),
    )(labels, flip, flipped)


def _rp_body(boxes2, noise2, refpts, noise_w, boxes_v, rp_v):
    wid = lax.axis_index("s")
    r_base = wid * RW
    ilo = r_base >> 5
    ilo_al = pl.multiple_of(jnp.minimum(ilo & -8, GN - WIN), 8)
    ilo_al4 = pl.multiple_of(ilo_al * 4, 32)

    pltpu.sync_copy(noise2.at[:, pl.ds(ilo_al4, WIN * 4)], noise_w)
    pltpu.sync_copy(boxes2, boxes_v)

    iota = lax.iota(jnp.int32, 16)

    def rp_chunk(q, carry):
        qq = q * 16 + iota
        rloc = qq >> 2
        k16 = qq & 3
        r16 = r_base + rloc
        b16 = r16 & 31
        i16 = r16 >> 5
        ncol = (i16 - ilo_al) * 4 + k16
        imod = i16 - 100 * ((i16 * 5243) >> 19)
        bcol = imod * 4 + k16
        n16 = plsc.load_gather(noise_w, [b16, ncol])
        bx16 = plsc.load_gather(boxes_v, [b16, bcol])
        v16 = jnp.minimum(jnp.maximum(bx16 + 0.5 * n16, 0.0), 1.0)
        rp_v[pl.ds(q * 16, 16)] = v16
        return carry

    lax.fori_loop(0, (RW * 4) // 16, rp_chunk, 0)
    pltpu.sync_copy(rp_v, refpts.at[pl.ds(wid * (RW * 4), RW * 4)])


def _rp_call(boxes2, noise2):
    mesh = plsc.VectorSubcoreMesh(core_axis_name="c", subcore_axis_name="s", num_cores=1)
    return pl.kernel(
        _rp_body,
        out_type=jax.ShapeDtypeStruct((ROWS * 4,), jnp.float32),
        mesh=mesh,
        scratch_types=[
            pltpu.VMEM((B, WIN * 4), jnp.float32),
            pltpu.VMEM((B, N * 4), jnp.float32),
            pltpu.VMEM((RW * 4,), jnp.float32),
        ],
        compiler_params=pltpu.CompilerParams(
            use_tc_tiling_on_sc=False, needs_layout_passes=False),
    )(boxes2, noise2)


def _tgt_body(idx_ref, table_ref, out_ref):
    i = pl.program_id(0)
    idx = idx_ref[pl.ds(pl.multiple_of(i * RBLK, 128), RBLK)]
    oh = (idx[:, None] == lax.broadcasted_iota(jnp.int32, (RBLK, 92), 1)
          ).astype(jnp.float32)
    out_ref[...] = jnp.dot(oh, table_ref[...],
                           preferred_element_type=jnp.float32)


def _tgt_call(idx, table):
    return pl.pallas_call(
        _tgt_body,
        grid=(ROWS // RBLK,),
        in_specs=[
            pl.BlockSpec((ROWS,), lambda i: (0,)),
            pl.BlockSpec((92, D), lambda i: (0, 0)),
        ],
        out_specs=pl.BlockSpec((RBLK, D), lambda i: (i, 0)),
        out_shape=jax.ShapeDtypeStruct((ROWS, D), jnp.float32),
    )(idx, table)


def _mask_body(nq_ref, out_ref):
    pid = pl.program_id(0)
    row = pid * MROWS + lax.broadcasted_iota(jnp.int32, (MROWS, TOT), 0)
    col = lax.broadcasted_iota(jnp.int32, (MROWS, TOT), 1)
    gr = (row * 5243) >> 19
    gc = (col * 5243) >> 19
    dn_r = row < GN
    dn_c = col < GN
    tl = jnp.logical_and(dn_r, dn_c)
    br = jnp.logical_and(jnp.logical_not(dn_r), jnp.logical_not(dn_c))
    blocked_br = nq_ref[0] < 0
    out = jnp.where(tl, jnp.where(gr != gc, 1, 0),
                    jnp.where(br, jnp.where(blocked_br, 1, 0), 1))
    out_ref[...] = out.astype(jnp.int8)


def _mask_call(nq):
    grid = (TOT + MROWS - 1) // MROWS
    return pl.pallas_call(
        _mask_body,
        grid=(grid,),
        in_specs=[pl.BlockSpec(memory_space=pltpu.SMEM)],
        out_specs=pl.BlockSpec((MROWS, TOT), lambda i: (i, 0)),
        out_shape=jax.ShapeDtypeStruct((TOT, TOT), jnp.int8),
    )(nq)


def kernel(labels, boxes, flip_mask, flipped_labels, box_noise,
           label_enc_weight, num_queries):
    labels = labels.astype(jnp.int32)
    flipped = flipped_labels.astype(jnp.int32)
    boxes2 = boxes.reshape(B, N * 4)
    noise2 = box_noise.reshape(B, GN * 4)
    idx = _idx_call(labels, flip_mask, flipped)
    rp = _rp_call(boxes2, noise2)
    tgt = _tgt_call(idx, label_enc_weight)
    nq = jnp.asarray(num_queries, jnp.int32).reshape(1)
    attn_mask = _mask_call(nq).astype(jnp.bool_)
    return tgt.reshape(GN, B, D), rp.reshape(GN, B, 4), attn_mask

# --- scband reference (transcript-rebuilt; emitter-appended) ---
"""Pipeline reference for scband-contrastive-denoising-training-91173565759940 (READ-ONLY COPY).

The authoritative reference and input builder live on the scoring server;
editing this copy changes nothing except your own understanding.
"""

import jax, jax.numpy as jnp
import numpy as np


def setup_inputs(seed: int = 0) -> dict:
    key = jax.random.key(seed)
    ks = jax.random.split(key, 6)
    B, N, G, C, D = 32, 100, 10, 91, 256
    labels = jax.random.randint(ks[0], (B, N), 0, C, dtype=jnp.int64) if jax.config.jax_enable_x64 else jax.random.randint(ks[0], (B, N), 0, C)
    boxes = jax.random.uniform(ks[1], (B, N, 4), dtype=jnp.float32)
    flip_mask = jax.random.uniform(ks[2], (B, G * N), dtype=jnp.float32)
    flipped_labels = jax.random.randint(ks[3], (B, G * N), 0, C)
    box_noise = jax.random.normal(ks[4], (B, G * N, 4), dtype=jnp.float32)
    label_enc_weight = jax.random.normal(ks[5], (C + 1, D), dtype=jnp.float32)
    return {
        "labels": labels,
        "boxes": boxes,
        "flip_mask": flip_mask,
        "flipped_labels": flipped_labels,
        "box_noise": box_noise,
        "label_enc_weight": label_enc_weight,
        "num_queries": 300,
    }


def reference(labels, boxes, flip_mask, flipped_labels, box_noise, label_enc_weight, num_queries):
    # All targets assumed to have N known boxes (max_known == N), so the
    # per-group scatter in the torch code reduces to a contiguous layout.
    label_noise_ratio = 0.5
    box_noise_scale = 1.0
    B, N = labels.shape
    GN = flip_mask.shape[1]
    G = GN // N  # group_size = 2 * num_cdn_groups
    num_classes = label_enc_weight.shape[0] - 1

    # repeat labels/boxes over all DN groups
    rep_labels = jnp.tile(labels, (1, G))                # (B, GN)
    rep_boxes = jnp.tile(boxes, (1, G, 1))               # (B, GN, 4)

    # label flipping noise (same ratio applied to pos and neg halves in the
    # original module, so a single fused where is faithful)
    dn_labels = jnp.where(flip_mask < label_noise_ratio, flipped_labels, rep_labels)

    # box jitter noise
    dn_boxes = jnp.clip(rep_boxes + box_noise * box_noise_scale * 0.5, 0.0, 1.0)

    # shared label embedding lookup
    dn_labels_c = jnp.clip(dn_labels, 0, num_classes - 1)
    dn_tgt = jnp.take(label_enc_weight, dn_labels_c, axis=0)  # (B, GN, D)
    dn_tgt = jnp.transpose(dn_tgt, (1, 0, 2))                 # (GN, B, D)
    dn_ref_pts = jnp.transpose(dn_boxes, (1, 0, 2))           # (GN, B, 4)

    # attention mask: True = block; groups only attend within their group,
    # regular queries attend among themselves
    num_dn = GN
    total = num_dn + 300
    gid = jnp.arange(num_dn) // N
    attn_mask = jnp.ones((total, total), dtype=bool)
    attn_mask = attn_mask.at[:num_dn, :num_dn].set(gid[:, None] != gid[None, :])
    attn_mask = attn_mask.at[num_dn:, num_dn:].set(num_queries < 0)

    return dn_tgt, dn_ref_pts, attn_mask

if __name__ == "__main__":
    import jax
    _d = setup_inputs()
    print(jax.jit(kernel)(*tuple(_d.values())))

</pallas_src>

<mosaic_0001>
#map = affine_map<(d0, d1) -> (0, 0)>
#map1 = affine_map<(d0, d1) -> (0)>
module attributes {stable_mosaic.version = 14 : i64} {
  func.func @_rp_body(%arg0: i32, %arg1: i32, %arg2: memref<32x400xf32, #tpu.memory_space<hbm>>, %arg3: memref<32x4000xf32, #tpu.memory_space<hbm>>, %arg4: memref<128000xf32, #tpu.memory_space<hbm>>, %arg5: memref<32x288xf32, #tpu.memory_space<vmem>>, %arg6: memref<32x400xf32, #tpu.memory_space<vmem>>, %arg7: memref<8000xf32, #tpu.memory_space<vmem>>) attributes {dimension_semantics = [#tpu.dimension_semantics<core_parallel>, #tpu.dimension_semantics<subcore_parallel>], iteration_bounds = array<i64: 1, 16>, scalar_prefetch = 0 : i64, scratch_operands = 3 : i64, tpu.core_type = #tpu.core_type<sc_vector_subcore>, window_params = [{transform_indices = #map}, {transform_indices = #map}, {transform_indices = #map1}]} {
    %mul3A = arith.constant 2000 : i32
    %mul3A_0 = arith.muli %arg1, %mul3A : i32
    %shift_right_arithmetic3A = arith.constant 5 : i32
    %shift_right_arithmetic3A_1 = arith.shrsi %mul3A_0, %shift_right_arithmetic3A : i32
    %and3A = arith.constant -8 : i32
    %and3A_2 = arith.andi %shift_right_arithmetic3A_1, %and3A : i32
    %min3A = arith.constant 928 : i32
    %min3A_3 = arith.minsi %and3A_2, %min3A : i32
    %multiple_of3A = tpu.assume_multiple %min3A_3, 8 : i32
    %mul3A_4 = arith.constant 4 : i32
    %mul3A_5 = arith.muli %multiple_of3A, %mul3A_4 : i32
    %multiple_of3A_6 = tpu.assume_multiple %mul3A_5, 32 : i32
    "tpu.region"() ({
      %run_scoped3A = tpu.sem_alloc : memref<!tpu.dma_semaphore, #tpu.memory_space<semaphore_mem>>
      %dma_start3A = arith.constant 0 : i32
      %dma_start3A_14 = tpu.memref_slice %arg3[%dma_start3A, %multiple_of3A_6] : memref<32x4000xf32, #tpu.memory_space<hbm>> -> memref<32x288xf32, #tpu.memory_space<hbm>>
      %dma_start3A_15 = arith.constant 0 : i32
      %dma_start3A_16 = tpu.memref_slice %arg3[%dma_start3A_15, %multiple_of3A_6] : memref<32x4000xf32, #tpu.memory_space<hbm>> -> memref<32x288xf32, #tpu.memory_space<hbm>>
      tpu.enqueue_dma source(%dma_start3A_16 : memref<32x288xf32, #tpu.memory_space<hbm>>) target(%arg5 : memref<32x288xf32, #tpu.memory_space<vmem>>) target_semaphore(%run_scoped3A : memref<!tpu.dma_semaphore, #tpu.memory_space<semaphore_mem>>)
      %dma_wait3A = arith.constant 0 : i32
      %dma_wait3A_17 = tpu.memref_slice %arg3[%dma_wait3A, %multiple_of3A_6] : memref<32x4000xf32, #tpu.memory_space<hbm>> -> memref<32x288xf32, #tpu.memory_space<hbm>>
      %dma_wait3A_18 = arith.constant 0 : i32
      %dma_wait3A_19 = tpu.memref_slice %arg3[%dma_wait3A_18, %multiple_of3A_6] : memref<32x4000xf32, #tpu.memory_space<hbm>> -> memref<32x288xf32, #tpu.memory_space<hbm>>
      tpu.wait_dma2 semaphore(%run_scoped3A : memref<!tpu.dma_semaphore, #tpu.memory_space<semaphore_mem>>) src(%dma_wait3A_19 : memref<32x288xf32, #tpu.memory_space<hbm>>) dst(%arg5 : memref<32x288xf32, #tpu.memory_space<vmem>>)
      tpu.yield
    }) : () -> ()
    "tpu.region"() ({
      %run_scoped3A = tpu.sem_alloc : memref<!tpu.dma_semaphore, #tpu.memory_space<semaphore_mem>>
      tpu.enqueue_dma source(%arg2 : memref<32x400xf32, #tpu.memory_space<hbm>>) target(%arg6 : memref<32x400xf32, #tpu.memory_space<vmem>>) target_semaphore(%run_scoped3A : memref<!tpu.dma_semaphore, #tpu.memory_space<semaphore_mem>>)
      tpu.wait_dma2 semaphore(%run_scoped3A : memref<!tpu.dma_semaphore, #tpu.memory_space<semaphore_mem>>) src(%arg2 : memref<32x400xf32, #tpu.memory_space<hbm>>) dst(%arg6 : memref<32x400xf32, #tpu.memory_space<vmem>>)
      tpu.yield
    }) : () -> ()
    %iota3A = tpu.iota {dimensions = array<i32: 0>} : vector<16xi32>
    %scan3A = arith.constant 0 : i32
    %scan3A_7 = arith.constant 0 : i32
    %scan3A_8 = arith.constant 500 : i32
    %scan3A_9 = arith.addi %scan3A_7, %scan3A_8 : i32
    %scan3A_10 = arith.constant 1 : i32
    scf.for %scan3A_14 = %scan3A_7 to %scan3A_9 step %scan3A_10  : i32 {
      %mul3A_15 = arith.constant 16 : i32
      %mul3A_16 = arith.muli %scan3A_14, %mul3A_15 : i32
      %add3A = vector.broadcast %mul3A_16 : i32 to vector<16xi32>
      %add3A_17 = arith.addi %add3A, %iota3A : vector<16xi32>
      %shift_right_arithmetic3A_18 = arith.constant 2 : i32
      %shift_right_arithmetic3A_19 = vector.broadcast %shift_right_arithmetic3A_18 : i32 to vector<16xi32>
      %shift_right_arithmetic3A_20 = arith.shrsi %add3A_17, %shift_right_arithmetic3A_19 : vector<16xi32>
      %and3A_21 = arith.constant 3 : i32
      %and3A_22 = vector.broadcast %and3A_21 : i32 to vector<16xi32>
      %and3A_23 = arith.andi %add3A_17, %and3A_22 : vector<16xi32>
      %add3A_24 = vector.broadcast %mul3A_0 : i32 to vector<16xi32>
      %add3A_25 = arith.addi %add3A_24, %shift_right_arithmetic3A_20 : vector<16xi32>
      %and3A_26 = arith.constant 31 : i32
      %and3A_27 = vector.broadcast %and3A_26 : i32 to vector<16xi32>
      %and3A_28 = arith.andi %add3A_25, %and3A_27 : vector<16xi32>
      %shift_right_arithmetic3A_29 = arith.constant 5 : i32
      %shift_right_arithmetic3A_30 = vector.broadcast %shift_right_arithmetic3A_29 : i32 to vector<16xi32>
      %shift_right_arithmetic3A_31 = arith.shrsi %add3A_25, %shift_right_arithmetic3A_30 : vector<16xi32>
      %sub3A = vector.broadcast %multiple_of3A : i32 to vector<16xi32>
      %sub3A_32 = arith.subi %shift_right_arithmetic3A_31, %sub3A : vector<16xi32>
      %mul3A_33 = arith.constant 4 : i32
      %mul3A_34 = vector.broadcast %mul3A_33 : i32 to vector<16xi32>
      %mul3A_35 = arith.muli %sub3A_32, %mul3A_34 : vector<16xi32>
      %add3A_36 = arith.addi %mul3A_35, %and3A_23 : vector<16xi32>
      %mul3A_37 = arith.constant 5243 : i32
      %mul3A_38 = vector.broadcast %mul3A_37 : i32 to vector<16xi32>
      %mul3A_39 = arith.muli %shift_right_arithmetic3A_31, %mul3A_38 : vector<16xi32>
      %shift_right_arithmetic3A_40 = arith.constant 19 : i32
      %shift_right_arithmetic3A_41 = vector.broadcast %shift_right_arithmetic3A_40 : i32 to vector<16xi32>
      %shift_right_arithmetic3A_42 = arith.shrsi %mul3A_39, %shift_right_arithmetic3A_41 : vector<16xi32>
      %mul3A_43 = arith.constant 100 : i32
      %mul3A_44 = vector.broadcast %mul3A_43 : i32 to vector<16xi32>
      %mul3A_45 = arith.muli %mul3A_44, %shift_right_arithmetic3A_42 : vector<16xi32>
      %sub3A_46 = arith.subi %shift_right_arithmetic3A_31, %mul3A_45 : vector<16xi32>
      %mul3A_47 = arith.constant 4 : i32
      %mul3A_48 = vector.broadcast %mul3A_47 : i32 to vector<16xi32>
      %mul3A_49 = arith.muli %sub3A_46, %mul3A_48 : vector<16xi32>
      %add3A_50 = arith.addi %mul3A_49, %and3A_23 : vector<16xi32>
      %gather3A = tpu.vector_load_idx %arg5[%and3A_28, %add3A_36] : memref<32x288xf32, #tpu.memory_space<vmem>>[vector<16xi32>, vector<16xi32>], vector<16xf32>,
      %gather3A_51 = tpu.vector_load_idx %arg6[%and3A_28, %add3A_50] : memref<32x400xf32, #tpu.memory_space<vmem>>[vector<16xi32>, vector<16xi32>], vector<16xf32>,
      %mul3A_52 = arith.constant 5.000000e-01 : f32
      %mul3A_53 = vector.broadcast %mul3A_52 : f32 to vector<16xf32>
      %mul3A_54 = arith.mulf %mul3A_53, %gather3A : vector<16xf32>
      %add3A_55 = arith.addf %gather3A_51, %mul3A_54 : vector<16xf32>
      %max3A = arith.constant 0.000000e+00 : f32
      %max3A_56 = vector.broadcast %max3A : f32 to vector<16xf32>
      %max3A_57 = arith.maximumf %add3A_55, %max3A_56 : vector<16xf32>
      %min3A_58 = arith.constant 1.000000e+00 : f32
      %min3A_59 = vector.broadcast %min3A_58 : f32 to vector<16xf32>
      %min3A_60 = arith.minimumf %max3A_57, %min3A_59 : vector<16xf32>
      %mul3A_61 = arith.constant 16 : i32
      %mul3A_62 = arith.muli %scan3A_14, %mul3A_61 : i32
      %swap3A = arith.index_cast %mul3A_62 : i32 to index
      %swap3A_63 = tpu.vector_load %arg7[%swap3A] {strides = array<i32>} : memref<8000xf32, #tpu.memory_space<vmem>>, vector<16xf32>,
      tpu.vector_store %arg7[%swap3A], %min3A_60 {strides = array<i32>} : memref<8000xf32, #tpu.memory_space<vmem>>, vector<16xf32>,
    }
    %scan3A_11 = arith.constant 500 : i32
    %mul3A_12 = arith.constant 8000 : i32
    %mul3A_13 = arith.muli %arg1, %mul3A_12 : i32
    "tpu.region"() ({
      %run_scoped3A = tpu.sem_alloc : memref<!tpu.dma_semaphore, #tpu.memory_space<semaphore_mem>>
      %dma_start3A = tpu.memref_slice %arg4[%mul3A_13] : memref<128000xf32, #tpu.memory_space<hbm>> -> memref<8000xf32, #tpu.memory_space<hbm>>
      %dma_start3A_14 = tpu.memref_slice %arg4[%mul3A_13] : memref<128000xf32, #tpu.memory_space<hbm>> -> memref<8000xf32, #tpu.memory_space<hbm>>
      tpu.enqueue_dma source(%arg7 : memref<8000xf32, #tpu.memory_space<vmem>>) target(%dma_start3A_14 : memref<8000xf32, #tpu.memory_space<hbm>>) target_semaphore(%run_scoped3A : memref<!tpu.dma_semaphore, #tpu.memory_space<semaphore_mem>>)
      %dma_wait3A = tpu.memref_slice %arg4[%mul3A_13] : memref<128000xf32, #tpu.memory_space<hbm>> -> memref<8000xf32, #tpu.memory_space<hbm>>
      %dma_wait3A_15 = tpu.memref_slice %arg4[%mul3A_13] : memref<128000xf32, #tpu.memory_space<hbm>> -> memref<8000xf32, #tpu.memory_space<hbm>>
      tpu.wait_dma2 semaphore(%run_scoped3A : memref<!tpu.dma_semaphore, #tpu.memory_space<semaphore_mem>>) src(%arg7 : memref<8000xf32, #tpu.memory_space<vmem>>) dst(%dma_wait3A_15 : memref<8000xf32, #tpu.memory_space<hbm>>)
      tpu.yield
    }) : () -> ()
    return
  }
}

#map = affine_map<(d0, d1) -> (0, 0)>
#map1 = affine_map<(d0, d1) -> (0)>
module attributes {stable_mosaic.version = 14 : i64} {
  func.func @_idx_body(%arg0: i32, %arg1: i32, %arg2: memref<32x100xi32, #tpu.memory_space<hbm>>, %arg3: memref<32x1000xf32, #tpu.memory_space<hbm>>, %arg4: memref<32x1000xi32, #tpu.memory_space<hbm>>, %arg5: memref<32000xi32, #tpu.memory_space<hbm>>, %arg6: memref<32x72xf32, #tpu.memory_space<vmem>>, %arg7: memref<32x72xi32, #tpu.memory_space<vmem>>, %arg8: memref<32x100xi32, #tpu.memory_space<vmem>>, %arg9: memref<2000xi32, #tpu.memory_space<vmem>>, %arg10: memref<!tpu.dma_semaphore, #tpu.memory_space<semaphore_mem>>) attributes {dimension_semantics = [#tpu.dimension_semantics<core_parallel>, #tpu.dimension_semantics<subcore_parallel>], iteration_bounds = array<i64: 1, 16>, scalar_prefetch = 0 : i64, scratch_operands = 5 : i64, tpu.core_type = #tpu.core_type<sc_vector_subcore>, window_params = [{transform_indices = #map}, {transform_indices = #map}, {transform_indices = #map}, {transform_indices = #map1}]} {
    %mul3A = arith.constant 2000 : i32
    %mul3A_0 = arith.muli %arg1, %mul3A : i32
    %shift_right_arithmetic3A = arith.constant 5 : i32
    %shift_right_arithmetic3A_1 = arith.shrsi %mul3A_0, %shift_right_arithmetic3A : i32
    %and3A = arith.constant -8 : i32
    %and3A_2 = arith.andi %shift_right_arithmetic3A_1, %and3A : i32
    %min3A = arith.constant 928 : i32
    %min3A_3 = arith.minsi %and3A_2, %min3A : i32
    %multiple_of3A = tpu.assume_multiple %min3A_3, 8 : i32
    %dma_start3A = arith.constant 0 : i32
    %dma_start3A_4 = tpu.memref_slice %arg3[%dma_start3A, %multiple_of3A] : memref<32x1000xf32, #tpu.memory_space<hbm>> -> memref<32x72xf32, #tpu.memory_space<hbm>>
    %dma_start3A_5 = arith.constant 0 : i32
    %dma_start3A_6 = tpu.memref_slice %arg3[%dma_start3A_5, %multiple_of3A] : memref<32x1000xf32, #tpu.memory_space<hbm>> -> memref<32x72xf32, #tpu.memory_space<hbm>>
    tpu.enqueue_dma source(%dma_start3A_6 : memref<32x72xf32, #tpu.memory_space<hbm>>) target(%arg6 : memref<32x72xf32, #tpu.memory_space<vmem>>) target_semaphore(%arg10 : memref<!tpu.dma_semaphore, #tpu.memory_space<semaphore_mem>>)
    %dma_start3A_7 = arith.constant 0 : i32
    %dma_start3A_8 = tpu.memref_slice %arg4[%dma_start3A_7, %multiple_of3A] : memref<32x1000xi32, #tpu.memory_space<hbm>> -> memref<32x72xi32, #tpu.memory_space<hbm>>
    %dma_start3A_9 = arith.constant 0 : i32
    %dma_start3A_10 = tpu.memref_slice %arg4[%dma_start3A_9, %multiple_of3A] : memref<32x1000xi32, #tpu.memory_space<hbm>> -> memref<32x72xi32, #tpu.memory_space<hbm>>
    tpu.enqueue_dma source(%dma_start3A_10 : memref<32x72xi32, #tpu.memory_space<hbm>>) target(%arg7 : memref<32x72xi32, #tpu.memory_space<vmem>>) target_semaphore(%arg10 : memref<!tpu.dma_semaphore, #tpu.memory_space<semaphore_mem>>)
    tpu.enqueue_dma source(%arg2 : memref<32x100xi32, #tpu.memory_space<hbm>>) target(%arg8 : memref<32x100xi32, #tpu.memory_space<vmem>>) target_semaphore(%arg10 : memref<!tpu.dma_semaphore, #tpu.memory_space<semaphore_mem>>)
    %dma_wait3A = arith.constant 0 : i32
    %dma_wait3A_11 = tpu.memref_slice %arg3[%dma_wait3A, %multiple_of3A] : memref<32x1000xf32, #tpu.memory_space<hbm>> -> memref<32x72xf32, #tpu.memory_space<hbm>>
    %dma_wait3A_12 = arith.constant 0 : i32
    %dma_wait3A_13 = tpu.memref_slice %arg3[%dma_wait3A_12, %multiple_of3A] : memref<32x1000xf32, #tpu.memory_space<hbm>> -> memref<32x72xf32, #tpu.memory_space<hbm>>
    tpu.wait_dma2 semaphore(%arg10 : memref<!tpu.dma_semaphore, #tpu.memory_space<semaphore_mem>>) src(%dma_wait3A_13 : memref<32x72xf32, #tpu.memory_space<hbm>>) dst(%arg6 : memref<32x72xf32, #tpu.memory_space<vmem>>)
    %dma_wait3A_14 = arith.constant 0 : i32
    %dma_wait3A_15 = tpu.memref_slice %arg4[%dma_wait3A_14, %multiple_of3A] : memref<32x1000xi32, #tpu.memory_space<hbm>> -> memref<32x72xi32, #tpu.memory_space<hbm>>
    %dma_wait3A_16 = arith.constant 0 : i32
    %dma_wait3A_17 = tpu.memref_slice %arg4[%dma_wait3A_16, %multiple_of3A] : memref<32x1000xi32, #tpu.memory_space<hbm>> -> memref<32x72xi32, #tpu.memory_space<hbm>>
    tpu.wait_dma2 semaphore(%arg10 : memref<!tpu.dma_semaphore, #tpu.memory_space<semaphore_mem>>) src(%dma_wait3A_17 : memref<32x72xi32, #tpu.memory_space<hbm>>) dst(%arg7 : memref<32x72xi32, #tpu.memory_space<vmem>>)
    tpu.wait_dma2 semaphore(%arg10 : memref<!tpu.dma_semaphore, #tpu.memory_space<semaphore_mem>>) src(%arg2 : memref<32x100xi32, #tpu.memory_space<hbm>>) dst(%arg8 : memref<32x100xi32, #tpu.memory_space<vmem>>)
    %iota3A = tpu.iota {dimensions = array<i32: 0>} : vector<16xi32>
    %scan3A = arith.constant 0 : i32
    %scan3A_18 = arith.constant 0 : i32
    %scan3A_19 = arith.constant 125 : i32
    %scan3A_20 = arith.addi %scan3A_18, %scan3A_19 : i32
    %scan3A_21 = arith.constant 1 : i32
    scf.for %scan3A_23 = %scan3A_18 to %scan3A_20 step %scan3A_21  : i32 {
      %mul3A_24 = arith.constant 16 : i32
      %mul3A_25 = arith.muli %scan3A_23, %mul3A_24 : i32
      %add3A = arith.addi %mul3A_0, %mul3A_25 : i32
      %add3A_26 = vector.broadcast %add3A : i32 to vector<16xi32>
      %add3A_27 = arith.addi %add3A_26, %iota3A : vector<16xi32>
      %and3A_28 = arith.constant 31 : i32
      %and3A_29 = vector.broadcast %and3A_28 : i32 to vector<16xi32>
      %and3A_30 = arith.andi %add3A_27, %and3A_29 : vector<16xi32>
      %shift_right_arithmetic3A_31 = arith.constant 5 : i32
      %shift_right_arithmetic3A_32 = vector.broadcast %shift_right_arithmetic3A_31 : i32 to vector<16xi32>
      %shift_right_arithmetic3A_33 = arith.shrsi %add3A_27, %shift_right_arithmetic3A_32 : vector<16xi32>
      %min3A_34 = arith.constant 999 : i32
      %min3A_35 = vector.broadcast %min3A_34 : i32 to vector<16xi32>
      %min3A_36 = arith.minsi %shift_right_arithmetic3A_33, %min3A_35 : vector<16xi32>
      %sub3A = vector.broadcast %multiple_of3A : i32 to vector<16xi32>
      %sub3A_37 = arith.subi %min3A_36, %sub3A : vector<16xi32>
      %gather3A = tpu.vector_load_idx %arg6[%and3A_30, %sub3A_37] : memref<32x72xf32, #tpu.memory_space<vmem>>[vector<16xi32>, vector<16xi32>], vector<16xf32>,
      %gather3A_38 = tpu.vector_load_idx %arg7[%and3A_30, %sub3A_37] : memref<32x72xi32, #tpu.memory_space<vmem>>[vector<16xi32>, vector<16xi32>], vector<16xi32>,
      %mul3A_39 = arith.constant 5243 : i32
      %mul3A_40 = vector.broadcast %mul3A_39 : i32 to vector<16xi32>
      %mul3A_41 = arith.muli %min3A_36, %mul3A_40 : vector<16xi32>
      %shift_right_arithmetic3A_42 = arith.constant 19 : i32
      %shift_right_arithmetic3A_43 = vector.broadcast %shift_right_arithmetic3A_42 : i32 to vector<16xi32>
      %shift_right_arithmetic3A_44 = arith.shrsi %mul3A_41, %shift_right_arithmetic3A_43 : vector<16xi32>
      %mul3A_45 = arith.constant 100 : i32
      %mul3A_46 = vector.broadcast %mul3A_45 : i32 to vector<16xi32>
      %mul3A_47 = arith.muli %mul3A_46, %shift_right_arithmetic3A_44 : vector<16xi32>
      %sub3A_48 = arith.subi %min3A_36, %mul3A_47 : vector<16xi32>
      %gather3A_49 = tpu.vector_load_idx %arg8[%and3A_30, %sub3A_48] : memref<32x100xi32, #tpu.memory_space<vmem>>[vector<16xi32>, vector<16xi32>], vector<16xi32>,
      %lt3A = arith.constant 5.000000e-01 : f32
      %lt3A_50 = vector.broadcast %lt3A : f32 to vector<16xf32>
      %lt3A_51 = arith.cmpf olt, %gather3A, %lt3A_50 : vector<16xf32>
      %select_n3A = arith.select %lt3A_51, %gather3A_38, %gather3A_49 : vector<16xi1>, vector<16xi32>
      %max3A = arith.constant 0 : i32
      %max3A_52 = vector.broadcast %max3A : i32 to vector<16xi32>
      %max3A_53 = arith.maxsi %select_n3A, %max3A_52 : vector<16xi32>
      %min3A_54 = arith.constant 90 : i32
      %min3A_55 = vector.broadcast %min3A_54 : i32 to vector<16xi32>
      %min3A_56 = arith.minsi %max3A_53, %min3A_55 : vector<16xi32>
      %mul3A_57 = arith.constant 16 : i32
      %mul3A_58 = arith.muli %scan3A_23, %mul3A_57 : i32
      %swap3A = arith.index_cast %mul3A_58 : i32 to index
      %swap3A_59 = tpu.vector_load %arg9[%swap3A] {strides = array<i32>} : memref<2000xi32, #tpu.memory_space<vmem>>, vector<16xi32>,
      tpu.vector_store %arg9[%swap3A], %min3A_56 {strides = array<i32>} : memref<2000xi32, #tpu.memory_space<vmem>>, vector<16xi32>,
    }
    %scan3A_22 = arith.constant 125 : i32
    "tpu.region"() ({
      %run_scoped3A = tpu.sem_alloc : memref<!tpu.dma_semaphore, #tpu.memory_space<semaphore_mem>>
      %dma_start3A_23 = tpu.memref_slice %arg5[%mul3A_0] : memref<32000xi32, #tpu.memory_space<hbm>> -> memref<2000xi32, #tpu.memory_space<hbm>>
      %dma_start3A_24 = tpu.memref_slice %arg5[%mul3A_0] : memref<32000xi32, #tpu.memory_space<hbm>> -> memref<2000xi32, #tpu.memory_space<hbm>>
      tpu.enqueue_dma source(%arg9 : memref<2000xi32, #tpu.memory_space<vmem>>) target(%dma_start3A_24 : memref<2000xi32, #tpu.memory_space<hbm>>) target_semaphore(%run_scoped3A : memref<!tpu.dma_semaphore, #tpu.memory_space<semaphore_mem>>)
      %dma_wait3A_25 = tpu.memref_slice %arg5[%mul3A_0] : memref<32000xi32, #tpu.memory_space<hbm>> -> memref<2000xi32, #tpu.memory_space<hbm>>
      %dma_wait3A_26 = tpu.memref_slice %arg5[%mul3A_0] : memref<32000xi32, #tpu.memory_space<hbm>> -> memref<2000xi32, #tpu.memory_space<hbm>>
      tpu.wait_dma2 semaphore(%run_scoped3A : memref<!tpu.dma_semaphore, #tpu.memory_space<semaphore_mem>>) src(%arg9 : memref<2000xi32, #tpu.memory_space<vmem>>) dst(%dma_wait3A_26 : memref<2000xi32, #tpu.memory_space<hbm>>)
      tpu.yield
    }) : () -> ()
    return
  }
}

module attributes {stable_mosaic.version = 14 : i64} {
  func.func @_mask_body(%arg0: i32, %arg1: memref<1xi32, #tpu.memory_space<smem>>, %arg2: memref<104x1300xi8, #tpu.memory_space<vmem>>) attributes {dimension_semantics = [#tpu.dimension_semantics<arbitrary>], iteration_bounds = array<i64: 13>, scalar_prefetch = 0 : i64, scratch_operands = 0 : i64, tpu.core_type = #tpu.core_type<tc>, window_params = [{transform_indices = @transform_0, window_bounds = array<i64: 1>}, {transform_indices = @transform_1, window_bounds = array<i64: 104, 1300>}]} {
    %mul3A = arith.constant 104 : i32
    %mul3A_0 = arith.muli %arg0, %mul3A : i32
    %iota3A = tpu.iota {dimensions = array<i32: 0>} : vector<104x1300xi32>
    %add3A = vector.broadcast %mul3A_0 : i32 to vector<104x1300xi32>
    %add3A_1 = arith.addi %add3A, %iota3A : vector<104x1300xi32>
    %iota3A_2 = tpu.iota {dimensions = array<i32: 1>} : vector<104x1300xi32>
    %mul3A_3 = arith.constant 5243 : i32
    %mul3A_4 = vector.broadcast %mul3A_3 : i32 to vector<104x1300xi32>
    %mul3A_5 = arith.muli %add3A_1, %mul3A_4 : vector<104x1300xi32>
    %shift_right_arithmetic3A = arith.constant 19 : i32
    %shift_right_arithmetic3A_6 = vector.broadcast %shift_right_arithmetic3A : i32 to vector<104x1300xi32>
    %shift_right_arithmetic3A_7 = arith.shrsi %mul3A_5, %shift_right_arithmetic3A_6 : vector<104x1300xi32>
    %mul3A_8 = arith.constant 5243 : i32
    %mul3A_9 = vector.broadcast %mul3A_8 : i32 to vector<104x1300xi32>
    %mul3A_10 = arith.muli %iota3A_2, %mul3A_9 : vector<104x1300xi32>
    %shift_right_arithmetic3A_11 = arith.constant 19 : i32
    %shift_right_arithmetic3A_12 = vector.broadcast %shift_right_arithmetic3A_11 : i32 to vector<104x1300xi32>
    %shift_right_arithmetic3A_13 = arith.shrsi %mul3A_10, %shift_right_arithmetic3A_12 : vector<104x1300xi32>
    %lt3A = arith.constant 1000 : i32
    %lt3A_14 = vector.broadcast %lt3A : i32 to vector<104x1300xi32>
    %lt3A_15 = arith.cmpi slt, %add3A_1, %lt3A_14 : vector<104x1300xi32>
    %lt3A_16 = arith.constant 1000 : i32
    %lt3A_17 = vector.broadcast %lt3A_16 : i32 to vector<104x1300xi32>
    %lt3A_18 = arith.cmpi slt, %iota3A_2, %lt3A_17 : vector<104x1300xi32>
    %and3A = arith.andi %lt3A_15, %lt3A_18 : vector<104x1300xi1>
    %not3A = arith.constant dense<true> : vector<104x1300xi1>
    %not3A_19 = arith.xori %lt3A_15, %not3A : vector<104x1300xi1>
    %not3A_20 = arith.constant dense<true> : vector<104x1300xi1>
    %not3A_21 = arith.xori %lt3A_18, %not3A_20 : vector<104x1300xi1>
    %and3A_22 = arith.andi %not3A_19, %not3A_21 : vector<104x1300xi1>
    %get3A = arith.constant 0 : index
    %get3A_23 = memref.load %arg1[%get3A] : memref<1xi32, #tpu.memory_space<smem>>
    %lt3A_24 = arith.constant 0 : i32
    %lt3A_25 = arith.cmpi slt, %get3A_23, %lt3A_24 : i32
    %ne3A = arith.cmpi ne, %shift_right_arithmetic3A_7, %shift_right_arithmetic3A_13 : vector<104x1300xi32>
    %jit3A = arith.constant 1 : i32
    %jit3A_26 = arith.constant 0 : i32
    %broadcast_in_dim3A = vector.broadcast %jit3A : i32 to vector<104x1300xi32>
    %broadcast_in_dim3A_27 = vector.broadcast %jit3A_26 : i32 to vector<104x1300xi32>
    %select_n3A = arith.select %ne3A, %broadcast_in_dim3A, %broadcast_in_dim3A_27 : vector<104x1300xi1>, vector<104x1300xi32>
    %jit3A_28 = arith.constant 1 : i32
    %jit3A_29 = arith.constant 0 : i32
    %select_n3A_30 = arith.select %lt3A_25, %jit3A_28, %jit3A_29 : i32
    %jit3A_31 = arith.constant 1 : i32
    %broadcast_in_dim3A_32 = vector.broadcast %select_n3A_30 : i32 to vector<104x1300xi32>
    %broadcast_in_dim3A_33 = vector.broadcast %jit3A_31 : i32 to vector<104x1300xi32>
    %select_n3A_34 = arith.select %and3A_22, %broadcast_in_dim3A_32, %broadcast_in_dim3A_33 : vector<104x1300xi1>, vector<104x1300xi32>
    %select_n3A_35 = arith.select %and3A, %select_n3A, %select_n3A_34 : vector<104x1300xi1>, vector<104x1300xi32>
    %convert_element_type3A = arith.trunci %select_n3A_35 : vector<104x1300xi32> to vector<104x1300xi8>
    %swap3A = arith.constant 0 : index
    %swap3A_36 = arith.constant 0 : index
    %swap3A_37 = vector.load %arg2[%swap3A, %swap3A_36] : memref<104x1300xi8, #tpu.memory_space<vmem>>, vector<104x1300xi8>
    tpu.vector_store %arg2[%swap3A, %swap3A_36], %convert_element_type3A {strides = array<i32>} : memref<104x1300xi8, #tpu.memory_space<vmem>>, vector<104x1300xi8>,
    return
  }
  func.func @transform_0(%arg0: i32) -> i32 {
    %c0_i32 = arith.constant 0 : i32
    %c0_i32_0 = arith.constant 0 : i32
    return %c0_i32 : i32
  }
  func.func @transform_1(%arg0: i32) -> (i32, i32) {
    %c0_i32 = arith.constant 0 : i32
    %c0_i32_0 = arith.constant 0 : i32
    return %arg0, %c0_i32 : i32, i32
  }
}

module attributes {stable_mosaic.version = 14 : i64} {
  func.func @_tgt_body(%arg0: i32, %arg1: memref<32000xi32, #tpu.memory_space<vmem>>, %arg2: memref<92x256xf32, #tpu.memory_space<vmem>>, %arg3: memref<6400x256xf32, #tpu.memory_space<vmem>>) attributes {dimension_semantics = [#tpu.dimension_semantics<arbitrary>], iteration_bounds = array<i64: 5>, scalar_prefetch = 0 : i64, scratch_operands = 0 : i64, tpu.core_type = #tpu.core_type<tc>, window_params = [{pipeline_mode = #tpu.pipeline_mode<synchronous>, transform_indices = @transform_0, window_bounds = array<i64: 32000>}, {pipeline_mode = #tpu.pipeline_mode<synchronous>, transform_indices = @transform_1, window_bounds = array<i64: 92, 256>}, {transform_indices = @transform_2, window_bounds = array<i64: 6400, 256>}]} {
    %mul3A = arith.constant 6400 : i32
    %mul3A_0 = arith.muli %arg0, %mul3A : i32
    %multiple_of3A = tpu.assume_multiple %mul3A_0, 128 : i32
    %get3A = arith.index_cast %multiple_of3A : i32 to index
    %get3A_1 = vector.load %arg1[%get3A] : memref<32000xi32, #tpu.memory_space<vmem>>, vector<6400xi32>
    %broadcast_in_dim3A = vector.shape_cast %get3A_1 : vector<6400xi32> to vector<6400x1xi32>
    %iota3A = tpu.iota {dimensions = array<i32: 1>} : vector<6400x92xi32>
    %eq3A = vector.broadcast %broadcast_in_dim3A : vector<6400x1xi32> to vector<6400x92xi32>
    %eq3A_2 = arith.cmpi eq, %eq3A, %iota3A : vector<6400x92xi32>
    %convert_element_type3A = arith.extui %eq3A_2 : vector<6400x92xi1> to vector<6400x92xi32>
    %convert_element_type3A_3 = arith.sitofp %convert_element_type3A : vector<6400x92xi32> to vector<6400x92xf32>
    %get3A_4 = arith.constant 0 : index
    %get3A_5 = arith.constant 0 : index
    %get3A_6 = vector.load %arg2[%get3A_4, %get3A_5] : memref<92x256xf32, #tpu.memory_space<vmem>>, vector<92x256xf32>
    %dot_general3A = arith.constant dense<0.000000e+00> : vector<6400x256xf32>
    %dot_general3A_7 = tpu.matmul %convert_element_type3A_3, %get3A_6, %dot_general3A {dimension_numbers = #tpu.dot_dimension_numbers<[1], [0], [0], [1], [0, 0, 1, 1], [], []>, transpose_lhs_hint = false} : vector<6400x92xf32>, vector<92x256xf32>, vector<6400x256xf32> -> vector<6400x256xf32>
    %swap3A = arith.constant 0 : index
    %swap3A_8 = arith.constant 0 : index
    %swap3A_9 = vector.load %arg3[%swap3A, %swap3A_8] : memref<6400x256xf32, #tpu.memory_space<vmem>>, vector<6400x256xf32>
    tpu.vector_store %arg3[%swap3A, %swap3A_8], %dot_general3A_7 {strides = array<i32>} : memref<6400x256xf32, #tpu.memory_space<vmem>>, vector<6400x256xf32>,
    return
  }
  func.func @transform_0(%arg0: i32) -> i32 {
    %c0_i32 = arith.constant 0 : i32
    %c0_i32_0 = arith.constant 0 : i32
    return %c0_i32 : i32
  }
  func.func @transform_1(%arg0: i32) -> (i32, i32) {
    %c0_i32 = arith.constant 0 : i32
    %c0_i32_0 = arith.constant 0 : i32
    %c0_i32_1 = arith.constant 0 : i32
    return %c0_i32, %c0_i32_0 : i32, i32
  }
  func.func @transform_2(%arg0: i32) -> (i32, i32) {
    %c0_i32 = arith.constant 0 : i32
    %c0_i32_0 = arith.constant 0 : i32
    return %arg0, %c0_i32 : i32, i32
  }
}

</mosaic_0001>

<sc_bundles>
// kernel: kernel.6.cloned.1.call-start
scs
__scs_entry_jumppad:
0x0: {  	(pc) =	sbr.rel $0x88, $3  }
0x1: {  	(tag) =	ssettag $0x0;
	lr =	simm.s32 $0x1  }
0x2: {  	[smem:$0x3F9A] =	sst lr;
	_ =	strace $0xD0000000  }
0x3: {  	_ = 	snop  }
0x4: {  	_ = 	snop  }
0x5: {  	_ = 	snop  }
0x6: {  	_ = 	snop  }
0x7: {  	_ = 	snop  }
__scs_overlays_trampoline_lowered:
0x8: {  	[smem:$0x3FA9] =	sst s0  }
0x9: {  	[smem:$0x3FAA] =	sst s1  }
0xa: {  	[smem:$0x3FAB] =	sst s2  }
0xb: {  	[smem:$0x3FAC] =	sst s3  }
0xc: {  	[smem:$0x3FAD] =	sst s4  }
0xd: {  	[smem:$0x3FAE] =	sst s5  }
0xe: {  	[smem:$0x3FAF] =	sst s6  }
0xf: {  	[smem:$0x3FB0] =	sst s7  }
0x10: {  	[smem:$0x3FB1] =	sst s8  }
0x11: {  	[smem:$0x3FB2] =	sst s9;
	s0 =	simm.s32 @!p0 $0x0  }
0x12: {  	s1 =	sld [smem:$0x3F98];
	s0 =	simm.s32 @p0 $0x1  }
0x13: {  	[smem:$0x3FB3] =	sst s0;
	s0 =	simm.s32 @!p1 $0x0  }
0x14: {  	s2 =	sld [smem:$0x3F97];
	s0 =	simm.s32 @p1 $0x1  }
0x15: {  	[smem:$0x3FB4] =	sst s0;
	s0 =	simm.s32 @!p2 $0x0  }
0x16: {  	s3 =	sld [smem:$0x3FDB];
	s0 =	simm.s32 @p2 $0x1  }
0x17: {  	s4 =	simm.s32 $0x1BF5;
	[smem:$0x3FB6] =	sst s0  }
0x18: {  	s0 =	sld [smem:$0x3F99];
	_ =	swait.ge [sflag:s4], $0x0  }
0x19: {  	s7 =	sld [smem:$0x3F9A]  }
0x1a: {  	s8 =	sadd.s32 $0xFFFFE003, lr  }
0x1b: {  	s9 =	sadd.s32 $0xFFFFFEF7, lr;
	s5 =	simm.s32 $0xFFFFFFFF;
	p2 =	slt.u32 s8, $0xFFFFF086  }
0x1c: {  	p1 =	slt.u32 s9, $0xF7A;
	s5 =	simm.s32 @!p2 $0x0  }
0x1d: {  	s5 =	simm.s32 @p1 $0x1;
	p0 =	seq.s32 s7, s2  }
0x1e: {  	s7 =	smul.u32 @!p0 $0xF7A, s2;
	p2 =	seq.s32 @!p0 s5, $0x0  }
0x1f: {  	s9 =	smul.u32 $0xF7A, s1;
	s8 =	simm.s32 @!p0 $0x1BF5;
	p2 =	por !p2, p0  }
0x20: {  	[sflag:s8] =	ssyncset.s32 @!p0 $0xFFFFF086;
	s6 =	sadd.s32 @!p0 s3, s7;
	s7 =	simm.s32 @!p0 $0x108  }
0x21: {  	s3 =	sadd.s32 s3, s9;
	s6 =	sadd.s32 @!p0 $0x88, s6;
	s7 =	simm.s32 @p2 $0x1082  }
0x22: {  	[simem:s7], [sflag:s8] =	dma.local @!p0 [hbm:s6], $0xF7A  }
0x23: {  	s9 =	sor.u32 $0xD0000000, s2;
	s6 =	simm.s32 $0x108;
	_ =	swait.ge @!p0 [sflag:s8], $0x0  }
0x24: {  	s3 =	sadd.s32 $0x88, s3;
	s6 =	simm.s32 @!p1 $0x1082;
	[sflag:s4] =	ssyncset.s32 $0xFFFFF086  }
0x25: {  	[simem:s6], [sflag:s4] =	dma.local [hbm:s3], $0xF7A  }
0x26: {  	[smem:$0x3F9A] =	sst s1;
	(tag) =	ssettag s2;
	_ =	strace s9  }
0x27: {  	s1 =	sld [smem:$0x3FAA]  }
0x28: {  	s2 =	sld [smem:$0x3FAB]  }
0x29: {  	s4 =	sld [smem:$0x3FAD]  }
0x2a: {  	p0 =	seq.s32 s5, $0x0;
	s5 =	sld [smem:$0x3FAE]  }
0x2b: {  	s6 =	sld [smem:$0x3FAF]  }
0x2c: {  	s7 =	sld [smem:$0x3FB0]  }
0x2d: {  	s3 =	simm.s32 $0x108;
	s8 =	sld [smem:$0x3FB1]  }
0x2e: {  	s3 =	simm.s32 @!p0 $0x1082;
	s9 =	sld [smem:$0x3FB2]  }
0x2f: {  	lr =	sadd.s32 s0, s3;
	s0 =	sld [smem:$0x3FA9]  }
0x30: {  	s3 =	sld [smem:$0x3FAC]  }
0x31: {  	[smem:$0x3FB5] =	sst s10  }
0x32: {  	s10 =	sld [smem:$0x3FB3];
	_ =	sdelay $0x3  }
0x33: {  	p0 =	seq.s32 s10, $0x1;
	s10 =	sld [smem:$0x3FB5];
	_ =	sdelay $0x3  }
0x34: {  	[smem:$0x3FB5] =	sst s10  }
0x35: {  	s10 =	sld [smem:$0x3FB4];
	_ =	sdelay $0x3  }
0x36: {  	p1 =	seq.s32 s10, $0x1;
	s10 =	sld [smem:$0x3FB5];
	_ =	sdelay $0x3  }
0x37: {  	[smem:$0x3FB5] =	sst s10  }
0x38: {  	s10 =	sld [smem:$0x3FB6]  }
0x39: {  	_ = 	snop;
	(pc) =	sbr.ind lr, $3  }
0x3a: {  	_ = 	snop  }
0x3b: {  	_ = 	snop  }
0x3c: {  	p2 =	seq.s32 s10, $0x1;
	s10 =	sld [smem:$0x3FB5]  }
0x3d: {  	_ =	shalt  }
0x3e: {  	_ =	shalt  }
0x3f: {  	_ =	shalt  }
0x40: {  	_ =	shalt  }
0x41: {  	_ =	shalt  }
0x42: {  	_ =	shalt  }
0x43: {  	_ =	shalt  }
0x44: {  	_ =	shalt  }
0x45: {  	_ =	shalt  }
0x46: {  	_ =	shalt  }
0x47: {  	_ =	shalt  }
0x48: {  	_ =	shalt  }
0x49: {  	_ =	shalt  }
0x4a: {  	_ =	shalt  }
0x4b: {  	_ =	shalt  }
0x4c: {  	_ =	shalt  }
0x4d: {  	_ =	shalt  }
0x4e: {  	_ =	shalt  }
0x4f: {  	_ =	shalt  }
0x50: {  	_ =	shalt  }
0x51: {  	_ =	shalt  }
0x52: {  	_ =	shalt  }
0x53: {  	_ =	shalt  }
0x54: {  	_ =	shalt  }
0x55: {  	_ =	shalt  }
0x56: {  	_ =	shalt  }
0x57: {  	_ =	shalt  }
0x58: {  	_ =	shalt  }
0x59: {  	_ =	shalt  }
0x5a: {  	_ =	shalt  }
0x5b: {  	_ =	shalt  }
0x5c: {  	_ =	shalt  }
0x5d: {  	_ =	shalt  }
0x5e: {  	_ =	shalt  }
0x5f: {  	_ =	shalt  }
0x60: {  	_ =	shalt  }
0x61: {  	_ =	shalt  }
0x62: {  	_ =	shalt  }
0x63: {  	_ =	shalt  }
0x64: {  	_ =	shalt  }
0x65: {  	_ =	shalt  }
0x66: {  	_ =	shalt  }
0x67: {  	_ =	shalt  }
0x68: {  	_ =	shalt  }
0x69: {  	_ =	shalt  }
0x6a: {  	_ =	shalt  }
0x6b: {  	_ =	shalt  }
0x6c: {  	_ =	shalt  }
0x6d: {  	_ =	shalt  }
0x6e: {  	_ =	shalt  }
0x6f: {  	_ =	shalt  }
0x70: {  	_ =	shalt  }
0x71: {  	_ =	shalt  }
0x72: {  	_ =	shalt  }
0x73: {  	_ =	shalt  }
0x74: {  	_ =	shalt  }
0x75: {  	_ =	shalt  }
0x76: {  	_ =	shalt  }
0x77: {  	_ =	shalt  }
0x78: {  	_ =	shalt  }
0x79: {  	_ =	shalt  }
0x7a: {  	_ =	shalt  }
0x7b: {  	_ =	shalt  }
0x7c: {  	_ =	shalt  }
0x7d: {  	_ =	shalt  }
0x7e: {  	_ =	shalt  }
0x7f: {  	_ =	shalt  }
0x80: {  	_ =	shalt  }
0x81: {  	_ =	shalt  }
0x82: {  	_ =	shalt  }
0x83: {  	_ =	shalt  }
0x84: {  	_ =	shalt  }
0x85: {  	_ =	shalt  }
0x86: {  	_ =	shalt  }
0x87: {  	_ =	shalt  }
.Lfunc_end0:
.L_simem_size_0:
called_computation_lowered:
.L_overlay_start_0:
0x88: {  	s0 =	sld [smem:$0x3FD9]  }
0x89: {  	s1 =	sld [smem:$0x3FFE];
	_ =	sdelay $0x3  }
0x8a: {  	s0 =	sadd.s32 s1, s0  }
0x8b: {  	[smem:$0x3FC1] =	sst s0  }
0x8c: {  	_ = 	snop  }
0x8d: {  	(tm) =	ssettm $0x1  }
0x8e: {  	s15 =	sld [smem:$0x3FFB];
	_ =	sdelay $0x3  }
0x8f: {  	_ =	strace s15  }
0x90: {  	s0 =	sld [smem:$0x3FFC];
	_ =	sdelay $0x3  }
0x91: {  	_ =	strace s0  }
0x92: {  	s0 =	sld [smem:$0x3FFD];
	_ =	sdelay $0x3  }
0x93: {  	_ =	strace s0  }
0x94: {  	_ =	strace $0x8FFFFFFF  }
0x95: {  	s16 =	sld [smem:$0x3FDB];
	_ =	sdelay $0x1  }
0x96: {  	s17 =	simm.s32 $_scs_section_size  }
0x97: {  	s2 =	simm.s32 $_size__tile_overlayer_lowered;
	s3 =	simm.s32 $_tile_overlayer_lowered  }
0x98: {  	s20 =	simm.s32 $0x1BFF;
	s19 =	sshll.u32 s3, $0x1;
	s0 =	sadd.s32 s17, s16  }
0x99: {  	s4 =	simm.s32 $0x0;
	s18 =	sshll.u32 s2, $0x1;
	s2 =	sadd.s32 s19, s0  }
0x9a: {  	[timem:s4], [sflag:s20] =	dma.local [hbm:s2], s18  }
0x9b: {  	_ =	swait.ge [sflag:s20], s18  }
0x9c: {  	s1 =	ssub.s32 $0x0, s18;
	[sflag:s20] =	ssyncset.done $0x0  }
0x9d: {  	[sflag:s20] =	ssyncadd.s32 s1;
	_ =	sdelay $0x1  }
0x9e: {  	s21 =	simm.s32 $0x1B8B  }
0x9f: {  	_ =	swait.ge [sflag:s21], $0x1  }
0xa0: {  	[sflag:s21] =	ssyncset.done $0x0  }
0xa1: {  	s23 =	simm.s32 $0x1B8E;
	s22 =	sld [smem:$0x3FFE];
	[sflag:s21] =	ssyncadd.s32 $0xFFFFFFFF  }
0xa2: {  	s24 =	simm.s32 $execute0_lowered;
	[smem:$0x3FD2] =	sst s23  }
0xa3: {  	s2 =	sshll.u32 s24, $0x1;
	_ =	strace $0x80000049;
	[dreg:$0x1] =	wrdreg $0xFFFFFFFF  }
0xa4: {  	s25 =	simm.s32 $_size_execute0_lowered;
	s0 =	sadd.s32 s0, s2;
	[dreg:$0x0] =	wrdreg $0x0  }
0xa5: {  	s2 =	sshll.u32 s25, $0x1;
	[dreg:$0x2] =	wrdreg s0  }
0xa6: {  	[dreg:$0x3] =	wrdreg s2  }
0xa7: {  	[dreg:$0x4] =	wrdreg $0xC0  }
0xa8: {  	_ =	task [dreg:s4], $0x5FFFF  }
0xa9: {  	[dreg:$0x1] =	wrdreg $0xFFFFFFFF  }
0xaa: {  	[dreg:$0x0] =	wrdreg $0x60  }
0xab: {  	[dreg:$0x2] =	wrdreg s22  }
0xac: {  	[dreg:$0x3] =	wrdreg $0x9  }
0xad: {  	_ =	task.clear_ibuf [dreg:s4], $0x4FFFF;
	_ =	strace $0x90000049  }
0xae: {  	s26 =	simm.s32 $0x9;
	_ =	strace $0x8000004B  }
0xaf: {  	_ =	swait.ge [sflag:s26], $0x1  }
0xb0: {  	[sflag:s26] =	ssyncadd.s32 $0xFFFFFFFF  }
0xb1: {  	_ =	strace $0x9000004B  }
0xb2: {  	_ =	sfence  }
0xb3: {  	s28 =	sld [smem:$0x0];
	_ =	sdelay $0x1  }
0xb4: {  	s29 =	srdreg.scid  }
0xb5: {  	s30 =	sshll.u32 s29, $0xD;
	s31 =	sshrl.u32 s29, $0x2  }
0xb6: {  	s1 =	sand.u32 $0x1, s29;
	s2 =	sand.u32 $0x4000, s30;
	s0 =	sadd.s32 s31, s28  }
0xb7: {  	s1 =	sor.u32 s2, s1;
	s0 =	sshll.u32 s0, $0x11  }
0xb8: {  	s0 =	sor.u32 s0, s1  }
0xb9: {  	s0 =	sadd.s32 $0x8F2B, s0  }
0xba: {  	[sflag:s0] =	ssyncadd.remote.s32 $0x1  }
0xbb: {  	_ =	sfence.sel $0xFFFF  }
0xbc: {  	[dreg:$0x0] =	wrdreg $0xFFFFFFFF;
	(pc) =	sbr.abs _section_cstart, $3  }
0xbd: {  	[dreg:$0x1] =	wrdreg $0xFFFFFFFF  }
0xbe: {  	_ =	task.clear_ibuf [dreg:s4], $0x2FFFF;
	_ =	strace $0x9FFFFFFF  }
0xbf: {  	(tm) =	ssettm $0x7FFFFFFF  }
tec
execute0_lowered:
.L_overlay_start_1:
0x0: {  	(tag) =	ssettag $0x1  }
0x1: {  	s0 =	stileid.u32  }
0x2: {  	s2 =	smul.u32 $0x7D0, s0;
	_ =	sdelay $0x1  }
0x3: {  	s1 =	sshrl.u32 s2, $0x5  }
0x4: {  	s4 =	sand.u32 $0x3F8, s1  }
0x5: {  	s6 =	rddreg [dreg:$0x0];
	s7 =	smin.u32 s4, $0x3A0  }
0x6: {  	s3 =	simm.s32 $0x0;
	s8 =	simm.s32 $0x48;
	s4 =	sshrl.u32 s7, $0x3  }
0x7: {  	s9 =	simm.s32 $0x3E8;
	[smem:$0x7FF] =	sst s3;
	s4 =	sadd.s32 s4, s6  }
0x8: {  	s1 =	rddreg [dreg:$0x1];
	_ =	strace $0x8000004A;
	s5 =	sadd.s32 $0x1C00, s4  }
0x9: {  	v0 =	vmov s2;
	[tilespmem:s3], [sflag:$0x1] =	stream.strided.gather [hbm4b:s5+s8], $0x900, s9, s8, $0x38;
	[tilespmem:$0x26D0] =	vst v63  }
0xa: {  	v0 =	vshrl.u32 v0, $0x5;
	s29 =	sadd.s32 $0x2C00, s4;
	s4 =	simm.s32 $0x900  }
0xb: {  	v2 =	vmin.u32 v0, $0x3E7;
	[tilespmem:s4], [sflag:$0x1] =	stream.strided.gather [hbm4b:s29+s8], $0x900, s9, s8, $0x38;
	[tilespmem:$0x26D0] =	vst v63  }
0xc: {  	s31 =	simm.s32 $0x1;
	v1 =	vlaneseq.u32;
	s30 =	sadd.s32 $0x1A00, s6;
	v0 =	vmul.u32 $0x147B, v2;
	s5 =	simm.s32 $0x1200  }
0xd: {  	v4 =	vor.u32 s2, v1;
	[tilespmem:s5], [sflag:$0x1] =	stream.linear.gather [hbm4b:s30+s3], $0xD00, $0x38;
	[tilespmem:$0x26D0] =	vst v63  }
0xe: {  	v4 =	vand.u32 $0x1F, v4;
	v3 =	vshrl.u32 v0, $0x13;
	v0 =	vmov s7;
	_ =	swait.ge [sflag:s31], $0x900  }
0xf: {  	v6 =	vmul.u32 $0x48, v4;
	v3 =	vmul.u32 $0xFFFFFF9C, v3;
	v5 =	vsub.s32 v2, v0;
	[sflag:s31] =	ssyncset.done $0x0  }
0x10: {  	v4 =	vmul.u32 $0x68, v4;
	v5 =	vand.u32 $0xFFFFFFF8, v5;
	[sflag:s31] =	ssyncadd.s32 $0xFFFFF700  }
0x11: {  	v3 =	vadd.s32 v2, v3;
	v2 =	vand.u32 $0x7, v2;
	v5 =	vadd.s32 v6, v5;
	_ =	swait.ge [sflag:s31], $0x900  }
0x12: {  	v7 =	vand.u32 $0xFFFFFFF8, v3;
	v2 =	vor.u32 v2, v5;
	[sflag:s31] =	ssyncset.done $0x0  }
0x13: {  	v3 =	vand.u32 $0x7, v3;
	v4 =	vadd.s32 v4, v7;
	[sflag:s31] =	ssyncadd.s32 $0xFFFFF700  }
0x14: {  	s10 =	simm.s32 $0x80;
	v3 =	vor.u32 v3, v4;
	_ =	swait.ge [sflag:s31], $0xD00  }
0x15: {  	s6 =	sadd.s32 $0x3C00, s6;
	s9 =	sadd.s32 $0x10, s2;
	[sflag:s31] =	ssyncset.done $0x0  }
0x16: {  	s7 =	simm.s32 $0x40;
	s8 =	simm.s32 $0x0;
	v4 =	vmov s9;
	[sflag:s31] =	ssyncadd.s32 $0xFFFFF300  }
.LBB2_1:
0x17: {  	p0 =	sne.s32 s10, $0x1F00;
	v4 =	vshrl.u32 v4, $0x5;
	v5 =	vld.idx.msk [tilespmem:v2+s4+$0x0], $0xffff  }
0x18: {  	v4 =	vmin.u32 v4, $0x3E7;
	v2 =	vld.idx.msk [tilespmem:v2+s3+$0x0], $0xffff  }
0x19: {  	v6 =	vmul.u32 $0x147B, v4;
	v3 =	vld.idx.msk [tilespmem:v3+s5+$0x0], $0xffff  }
0x1a: {  	v7 =	vor.u32 s9, v1  }
0x1b: {  	v7 =	vand.u32 $0x1F, v7;
	v6 =	vshrl.u32 v6, $0x13  }
0x1c: {  	v8 =	vsub.s32 v4, v0;
	v9 =	vmul.u32 $0x48, v7;
	v6 =	vmul.u32 $0xFFFFFF9C, v6  }
0x1d: {  	v10 =	vand.u32 $0x7, v4;
	v7 =	vmul.u32 $0x68, v7;
	v8 =	vand.u32 $0xFFFFFFF8, v8  }
0x1e: {  	v8 =	vadd.s32 v9, v8;
	vm0 =	vlt.f32 v2, $5.000000000e-01;
	v4 =	vadd.s32 v4, v6  }
.Ltmp0:
0x1f: {  	v2 =	vor.u32 v10, v8;
	v5 =	vsel vm0, v5, v3;
	v6 =	vand.u32 $0xFFFFFFF8, v4;
	(pc) =	sbr.rel @p0 .LBB2_1-.Ltmp0, $4  }
0x20: {  	v3 =	vand.u32 $0x7, v4;
	vm0 =	vgt.s32 v5, $0x0;
	v4 =	vadd.s32 v7, v6  }
0x21: {  	v3 =	vor.u32 v3, v4;
	v4 =	vnsel vm0, $0x0, v5  }
0x22: {  	s9 =	sadd.s32 $0x10, s9;
	s11 =	sshra.s32 s8, $0x2;
	s8 =	smov.u32 s7;
	v5 =	vmin.u32 v4, $0x5A  }
0x23: {  	s7 =	smov.u32 s10;
	s10 =	sadd.s32 $0x40, s10;
	v4 =	vmov s9;
	[tilespmem:s11+$0x1F00] =	vst v5  }
0x24: {  	_ =	sdelay $0x2  }
0x25: {  	v4 =	vshrl.u32 v4, $0x5  }
0x26: {  	v5 =	vld.idx.msk [tilespmem:v2+s4+$0x0], $0xffff;
	v4 =	vmin.u32 v4, $0x3E7  }
0x27: {  	v61 =	vld.idx.msk [tilespmem:v2+s3+$0x0], $0xffff;
	v6 =	vmul.u32 $0x147B, v4  }
0x28: {  	v3 =	vld.idx.msk [tilespmem:v3+s5+$0x0], $0xffff;
	v1 =	vor.u32 s9, v1  }
0x29: {  	v1 =	vand.u32 $0x1F, v1;
	v6 =	vshrl.u32 v6, $0x13  }
0x2a: {  	v0 =	vsub.s32 v4, v0;
	v7 =	vmul.u32 $0x48, v1;
	v6 =	vmul.u32 $0xFFFFFF9C, v6  }
0x2b: {  	v8 =	vand.u32 $0x7, v4;
	v1 =	vmul.u32 $0x68, v1;
	v0 =	vand.u32 $0xFFFFFFF8, v0  }
0x2c: {  	v0 =	vadd.s32 v7, v0;
	vm0 =	vlt.f32 v61, $5.000000000e-01;
	v4 =	vadd.s32 v4, v6  }
0x2d: {  	v0 =	vor.u32 v8, v0;
	v3 =	vsel vm0, v5, v3;
	v62 =	vand.u32 $0xFFFFFFF8, v4  }
0x2e: {  	vm0 =	vgt.s32 v3, $0x0;
	v4 =	vand.u32 $0x7, v4;
	v1 =	vadd.s32 v1, v62  }
0x2f: {  	v63 =	vnsel vm0, $0x0, v3;
	v1 =	vor.u32 v4, v1  }
0x30: {  	s8 =	sshra.s32 s8, $0x2;
	v2 =	vmin.u32 v63, $0x5A  }
0x31: {  	[tilespmem:s8+$0x1F00] =	vst v2  }
0x32: {  	v2 =	vld.idx.msk [tilespmem:v0+s4+$0x0], $0xffff  }
0x33: {  	v0 =	vld.idx.msk [tilespmem:v0+s3+$0x0], $0xffff  }
0x34: {  	v1 =	vld.idx.msk [tilespmem:v1+s5+$0x0], $0xffff;
	_ =	sdelay $0x3  }
0x35: {  	vm15 =	vlt.f32 v0, $5.000000000e-01  }
0x36: {  	v0 =	vsel vm15, v2, v1  }
0x37: {  	vm0 =	vgt.s32 v0, $0x0  }
0x38: {  	v0 =	vnsel vm0, $0x0, v0  }
0x39: {  	s28 =	sshra.s32 s7, $0x2;
	s2 =	sshrl.u32 s2, $0x3;
	s29 =	simm.s32 $0x0;
	v0 =	vmin.u32 v0, $0x5A  }
0x3a: {  	s30 =	simm.s32 $0x1F00;
	s31 =	simm.s32 $0x2;
	s2 =	sadd.s32 s6, s2;
	[tilespmem:s28+$0x1F00] =	vst v0  }
0x3b: {  	[hbm4b:s2+s29] =	stream.linear.scatter [tilespmem:s30], [sflag:$0x2], $0x7D0, $0x38;
	[tilespmem:$0x26D0] =	vst v63  }
0x3c: {  	_ =	swait.ge [sflag:s31], $0x7D0  }
0x3d: {  	[sflag:s31] =	ssyncset.done $0x0  }
0x3e: {  	[sflag:s31] =	ssyncadd.s32 $0xFFFFF830  }
0x3f: {  	_ =	sfence.sel $0x180000  }
0x40: {  	[bflag:$0x0] =	sbarrier.arrive $0xFFFF  }
0x41: {  	p0 =	sne.s32 s0, $0x0;
	_ =	strace $0x9000004A  }
0x42: {  	s0 =	sadd.s32 @!p0 $0x100000, s1;
	[bflag:$0x2] =	sbarrier.arrive $0xFFFF  }
0x43: {  	[sflag:s0] =	ssyncadd.tile.s32 @!p0 $0x1;
	_ =	shalt  }
.Lfunc_end2:
_tile_overlayer_lowered:
.L_overlay_start_2:
0x44: {  	(tag) =	ssettag $0x2  }
0x45: {  	s0 =	rddreg [dreg:$0x0];
	s2 =	stileid.u32  }
0x46: {  	s1 =	rddreg [dreg:$0x1];
	p0 =	sne.s32 s2, $0x0  }
0x47: {  	s3 =	rddreg [dreg:$0x2];
	[bflag:$0x3] =	sbarrier.arrive $0xFFFF;
	s2 =	simm.s32 @!p0 $0x1C02  }
0x48: {  	[timem:s3], [sflag:s2] =	dma.local @!p0 [hbm:s0], s1  }
0x49: {  	s0 =	simm.s32 @!p0 $0x2  }
0x4a: {  	_ =	swait.ge @!p0 [sflag:s0], s1  }
0x4b: {  	s1 =	ssub.s32 @!p0 $0x0, s1;
	[sflag:s0] =	ssyncset.done @!p0 $0x0  }
0x4c: {  	[sflag:s0] =	ssyncadd.s32 @!p0 s1  }
0x4d: {  	[bflag:$0x3] =	sbarrier.arrive $0xFFFF  }
0x4e: {  	_ =	shalt  }

// kernel: kernel.9.cloned.1.call-start
scs
__scs_entry_jumppad:
0x0: {  	(pc) =	sbr.rel $0x88, $3  }
0x1: {  	(tag) =	ssettag $0x0;
	lr =	simm.s32 $0x1  }
0x2: {  	[smem:$0x3F9A] =	sst lr;
	_ =	strace $0xD0000000  }
0x3: {  	_ = 	snop  }
0x4: {  	_ = 	snop  }
0x5: {  	_ = 	snop  }
0x6: {  	_ = 	snop  }
0x7: {  	_ = 	snop  }
__scs_overlays_trampoline_lowered:
0x8: {  	[smem:$0x3FA9] =	sst s0  }
0x9: {  	[smem:$0x3FAA] =	sst s1  }
0xa: {  	[smem:$0x3FAB] =	sst s2  }
0xb: {  	[smem:$0x3FAC] =	sst s3  }
0xc: {  	[smem:$0x3FAD] =	sst s4  }
0xd: {  	[smem:$0x3FAE] =	sst s5  }
0xe: {  	[smem:$0x3FAF] =	sst s6  }
0xf: {  	[smem:$0x3FB0] =	sst s7  }
0x10: {  	[smem:$0x3FB1] =	sst s8  }
0x11: {  	[smem:$0x3FB2] =	sst s9;
	s0 =	simm.s32 @!p0 $0x0  }
0x12: {  	s1 =	sld [smem:$0x3F98];
	s0 =	simm.s32 @p0 $0x1  }
0x13: {  	[smem:$0x3FB3] =	sst s0;
	s0 =	simm.s32 @!p1 $0x0  }
0x14: {  	s2 =	sld [smem:$0x3F97];
	s0 =	simm.s32 @p1 $0x1  }
0x15: {  	[smem:$0x3FB4] =	sst s0;
	s0 =	simm.s32 @!p2 $0x0  }
0x16: {  	s3 =	sld [smem:$0x3FDB];
	s0 =	simm.s32 @p2 $0x1  }
0x17: {  	s4 =	simm.s32 $0x1BF5;
	[smem:$0x3FB6] =	sst s0  }
0x18: {  	s0 =	sld [smem:$0x3F99];
	_ =	swait.ge [sflag:s4], $0x0  }
0x19: {  	s7 =	sld [smem:$0x3F9A]  }
0x1a: {  	s8 =	sadd.s32 $0xFFFFE003, lr  }
0x1b: {  	s9 =	sadd.s32 $0xFFFFFEF7, lr;
	s5 =	simm.s32 $0xFFFFFFFF;
	p2 =	slt.u32 s8, $0xFFFFF086  }
0x1c: {  	p1 =	slt.u32 s9, $0xF7A;
	s5 =	simm.s32 @!p2 $0x0  }
0x1d: {  	s5 =	simm.s32 @p1 $0x1;
	p0 =	seq.s32 s7, s2  }
0x1e: {  	s7 =	smul.u32 @!p0 $0xF7A, s2;
	p2 =	seq.s32 @!p0 s5, $0x0  }
0x1f: {  	s9 =	smul.u32 $0xF7A, s1;
	s8 =	simm.s32 @!p0 $0x1BF5;
	p2 =	por !p2, p0  }
0x20: {  	[sflag:s8] =	ssyncset.s32 @!p0 $0xFFFFF086;
	s6 =	sadd.s32 @!p0 s3, s7;
	s7 =	simm.s32 @!p0 $0x108  }
0x21: {  	s3 =	sadd.s32 s3, s9;
	s6 =	sadd.s32 @!p0 $0x88, s6;
	s7 =	simm.s32 @p2 $0x1082  }
0x22: {  	[simem:s7], [sflag:s8] =	dma.local @!p0 [hbm:s6], $0xF7A  }
0x23: {  	s9 =	sor.u32 $0xD0000000, s2;
	s6 =	simm.s32 $0x108;
	_ =	swait.ge @!p0 [sflag:s8], $0x0  }
0x24: {  	s3 =	sadd.s32 $0x88, s3;
	s6 =	simm.s32 @!p1 $0x1082;
	[sflag:s4] =	ssyncset.s32 $0xFFFFF086  }
0x25: {  	[simem:s6], [sflag:s4] =	dma.local [hbm:s3], $0xF7A  }
0x26: {  	[smem:$0x3F9A] =	sst s1;
	(tag) =	ssettag s2;
	_ =	strace s9  }
0x27: {  	s1 =	sld [smem:$0x3FAA]  }
0x28: {  	s2 =	sld [smem:$0x3FAB]  }
0x29: {  	s4 =	sld [smem:$0x3FAD]  }
0x2a: {  	p0 =	seq.s32 s5, $0x0;
	s5 =	sld [smem:$0x3FAE]  }
0x2b: {  	s6 =	sld [smem:$0x3FAF]  }
0x2c: {  	s7 =	sld [smem:$0x3FB0]  }
0x2d: {  	s3 =	simm.s32 $0x108;
	s8 =	sld [smem:$0x3FB1]  }
0x2e: {  	s3 =	simm.s32 @!p0 $0x1082;
	s9 =	sld [smem:$0x3FB2]  }
0x2f: {  	lr =	sadd.s32 s0, s3;
	s0 =	sld [smem:$0x3FA9]  }
0x30: {  	s3 =	sld [smem:$0x3FAC]  }
0x31: {  	[smem:$0x3FB5] =	sst s10  }
0x32: {  	s10 =	sld [smem:$0x3FB3];
	_ =	sdelay $0x3  }
0x33: {  	p0 =	seq.s32 s10, $0x1;
	s10 =	sld [smem:$0x3FB5];
	_ =	sdelay $0x3  }
0x34: {  	[smem:$0x3FB5] =	sst s10  }
0x35: {  	s10 =	sld [smem:$0x3FB4];
	_ =	sdelay $0x3  }
0x36: {  	p1 =	seq.s32 s10, $0x1;
	s10 =	sld [smem:$0x3FB5];
	_ =	sdelay $0x3  }
0x37: {  	[smem:$0x3FB5] =	sst s10  }
0x38: {  	s10 =	sld [smem:$0x3FB6]  }
0x39: {  	_ = 	snop;
	(pc) =	sbr.ind lr, $3  }
0x3a: {  	_ = 	snop  }
0x3b: {  	_ = 	snop  }
0x3c: {  	p2 =	seq.s32 s10, $0x1;
	s10 =	sld [smem:$0x3FB5]  }
0x3d: {  	_ =	shalt  }
0x3e: {  	_ =	shalt  }
0x3f: {  	_ =	shalt  }
0x40: {  	_ =	shalt  }
0x41: {  	_ =	shalt  }
0x42: {  	_ =	shalt  }
0x43: {  	_ =	shalt  }
0x44: {  	_ =	shalt  }
0x45: {  	_ =	shalt  }
0x46: {  	_ =	shalt  }
0x47: {  	_ =	shalt  }
0x48: {  	_ =	shalt  }
0x49: {  	_ =	shalt  }
0x4a: {  	_ =	shalt  }
0x4b: {  	_ =	shalt  }
0x4c: {  	_ =	shalt  }
0x4d: {  	_ =	shalt  }
0x4e: {  	_ =	shalt  }
0x4f: {  	_ =	shalt  }
0x50: {  	_ =	shalt  }
0x51: {  	_ =	shalt  }
0x52: {  	_ =	shalt  }
0x53: {  	_ =	shalt  }
0x54: {  	_ =	shalt  }
0x55: {  	_ =	shalt  }
0x56: {  	_ =	shalt  }
0x57: {  	_ =	shalt  }
0x58: {  	_ =	shalt  }
0x59: {  	_ =	shalt  }
0x5a: {  	_ =	shalt  }
0x5b: {  	_ =	shalt  }
0x5c: {  	_ =	shalt  }
0x5d: {  	_ =	shalt  }
0x5e: {  	_ =	shalt  }
0x5f: {  	_ =	shalt  }
0x60: {  	_ =	shalt  }
0x61: {  	_ =	shalt  }
0x62: {  	_ =	shalt  }
0x63: {  	_ =	shalt  }
0x64: {  	_ =	shalt  }
0x65: {  	_ =	shalt  }
0x66: {  	_ =	shalt  }
0x67: {  	_ =	shalt  }
0x68: {  	_ =	shalt  }
0x69: {  	_ =	shalt  }
0x6a: {  	_ =	shalt  }
0x6b: {  	_ =	shalt  }
0x6c: {  	_ =	shalt  }
0x6d: {  	_ =	shalt  }
0x6e: {  	_ =	shalt  }
0x6f: {  	_ =	shalt  }
0x70: {  	_ =	shalt  }
0x71: {  	_ =	shalt  }
0x72: {  	_ =	shalt  }
0x73: {  	_ =	shalt  }
0x74: {  	_ =	shalt  }
0x75: {  	_ =	shalt  }
0x76: {  	_ =	shalt  }
0x77: {  	_ =	shalt  }
0x78: {  	_ =	shalt  }
0x79: {  	_ =	shalt  }
0x7a: {  	_ =	shalt  }
0x7b: {  	_ =	shalt  }
0x7c: {  	_ =	shalt  }
0x7d: {  	_ =	shalt  }
0x7e: {  	_ =	shalt  }
0x7f: {  	_ =	shalt  }
0x80: {  	_ =	shalt  }
0x81: {  	_ =	shalt  }
0x82: {  	_ =	shalt  }
0x83: {  	_ =	shalt  }
0x84: {  	_ =	shalt  }
0x85: {  	_ =	shalt  }
0x86: {  	_ =	shalt  }
0x87: {  	_ =	shalt  }
.Lfunc_end0:
.L_simem_size_0:
called_computation.1_lowered:
.L_overlay_start_0:
0x88: {  	s0 =	sld [smem:$0x3FD9]  }
0x89: {  	s1 =	sld [smem:$0x3FFE];
	_ =	sdelay $0x3  }
0x8a: {  	s0 =	sadd.s32 s1, s0  }
0x8b: {  	[smem:$0x3FC1] =	sst s0  }
0x8c: {  	_ = 	snop  }
0x8d: {  	s0 =	sld [smem:$0x3FD0];
	_ =	sdelay $0x2  }
0x8e: {  	s13 =	simm.s32 $0xB;
	s2 =	simm.s32 $0x10  }
0x8f: {  	[smem:s2], [sflag:s13] =	dma.local [hbm:s0], $0x1  }
0x90: {  	_ =	swait.eq [sflag:s13], $0x1  }
0x91: {  	[sflag:s13] =	ssyncset.done $0x0  }
0x92: {  	s14 =	sld [smem:$0x10];
	[sflag:s13] =	ssyncadd.s32 $0xFFFFFFFF  }
0x93: {  	s15 =	sld [smem:$0x11];
	(tm) =	ssettm $0x1  }
0x94: {  	s16 =	sld [smem:$0x3FFB];
	_ =	sdelay $0x3  }
0x95: {  	_ =	strace s16  }
0x96: {  	s2 =	sld [smem:$0x3FFC];
	_ =	sdelay $0x3  }
0x97: {  	_ =	strace s2  }
0x98: {  	s2 =	sld [smem:$0x3FFD];
	_ =	sdelay $0x3  }
0x99: {  	_ =	strace s2  }
0x9a: {  	_ =	strace $0x8FFFFFFF  }
0x9b: {  	s17 =	sld [smem:$0x3FDB];
	_ =	sdelay $0x1  }
0x9c: {  	s3 =	simm.s32 $_scs_section_size  }
0x9d: {  	s4 =	simm.s32 $_size__tile_overlayer_lowered;
	s5 =	simm.s32 $_tile_overlayer_lowered  }
0x9e: {  	s20 =	simm.s32 $0x1BFF;
	s19 =	sshll.u32 s5, $0x1;
	s2 =	sadd.s32 s3, s17  }
0x9f: {  	s6 =	simm.s32 $0x0;
	s18 =	sshll.u32 s4, $0x1;
	s4 =	sadd.s32 s19, s2  }
0xa0: {  	[timem:s6], [sflag:s20] =	dma.local [hbm:s4], s18  }
0xa1: {  	_ =	swait.ge [sflag:s20], s18  }
0xa2: {  	s3 =	ssub.s32 $0x0, s18;
	[sflag:s20] =	ssyncset.done $0x0  }
0xa3: {  	[sflag:s20] =	ssyncadd.s32 s3;
	_ =	sdelay $0x1  }
0xa4: {  	s21 =	simm.s32 $0x1B8B  }
0xa5: {  	_ =	swait.ge [sflag:s21], $0x1  }
0xa6: {  	[sflag:s21] =	ssyncset.done $0x0  }
0xa7: {  	s23 =	simm.s32 $0x1B8E;
	s22 =	sld [smem:$0x3FFE];
	[sflag:s21] =	ssyncadd.s32 $0xFFFFFFFF  }
0xa8: {  	s24 =	simm.s32 $execute0_lowered;
	[smem:$0x3FD2] =	sst s23  }
0xa9: {  	s4 =	sshll.u32 s24, $0x1;
	_ =	strace $0x80000046;
	[dreg:$0x1] =	wrdreg $0xFFFFFFFF  }
0xaa: {  	s25 =	simm.s32 $_size_execute0_lowered;
	s2 =	sadd.s32 s2, s4;
	[dreg:$0x0] =	wrdreg $0x0  }
0xab: {  	s4 =	sshll.u32 s25, $0x1;
	[dreg:$0x2] =	wrdreg s2  }
0xac: {  	[dreg:$0x3] =	wrdreg s4  }
0xad: {  	[dreg:$0x4] =	wrdreg $0xC0  }
0xae: {  	_ =	task [dreg:s6], $0x5FFFF  }
0xaf: {  	[dreg:$0x1] =	wrdreg $0xFFFFFFFF  }
0xb0: {  	[dreg:$0x0] =	wrdreg $0x60  }
0xb1: {  	[dreg:$0x2] =	wrdreg s22  }
0xb2: {  	[dreg:$0x3] =	wrdreg s15  }
0xb3: {  	[dreg:$0x4] =	wrdreg s14  }
0xb4: {  	[dreg:$0x5] =	wrdreg $0xA  }
0xb5: {  	_ =	task.clear_ibuf [dreg:s6], $0x6FFFF;
	_ =	strace $0x90000046  }
0xb6: {  	s26 =	simm.s32 $0xA;
	_ =	strace $0x80000048  }
0xb7: {  	_ =	swait.ge [sflag:s26], $0x1  }
0xb8: {  	[sflag:s26] =	ssyncadd.s32 $0xFFFFFFFF  }
0xb9: {  	_ =	strace $0x90000048  }
0xba: {  	_ =	sfence  }
0xbb: {  	s28 =	sld [smem:$0x0];
	_ =	sdelay $0x1  }
0xbc: {  	s29 =	srdreg.scid  }
0xbd: {  	s30 =	sshll.u32 s29, $0xD;
	s31 =	sshrl.u32 s29, $0x2  }
0xbe: {  	s1 =	sand.u32 $0x1, s29;
	s2 =	sand.u32 $0x4000, s30;
	s0 =	sadd.s32 s31, s28  }
0xbf: {  	s1 =	sor.u32 s2, s1;
	s0 =	sshll.u32 s0, $0x11  }
0xc0: {  	s0 =	sor.u32 s0, s1  }
0xc1: {  	s0 =	sadd.s32 $0x8F2B, s0  }
0xc2: {  	[sflag:s0] =	ssyncadd.remote.s32 $0x1  }
0xc3: {  	_ =	sfence.sel $0xFFFF  }
0xc4: {  	[dreg:$0x0] =	wrdreg $0xFFFFFFFF;
	(pc) =	sbr.abs _section_cstart, $3  }
0xc5: {  	[dreg:$0x1] =	wrdreg $0xFFFFFFFF  }
0xc6: {  	_ =	task.clear_ibuf [dreg:s6], $0x2FFFF;
	_ =	strace $0x9FFFFFFF  }
0xc7: {  	(tm) =	ssettm $0x7FFFFFFF  }
tec
execute0_lowered:
.L_overlay_start_1:
0x0: {  	(tag) =	ssettag $0x1  }
0x1: {  	s0 =	stileid.u32  }
0x2: {  	s3 =	simm.s32 $0x0;
	v2 =	vlaneseq.u32;
	s1 =	smul.u32 $0x7D0, s0  }
0x3: {  	v0 =	vor.u32 s3, v2  }
0x4: {  	v0 =	vshrl.u32 v0, $0x2;
	v1 =	vmov s1  }
0x5: {  	s4 =	rddreg [dreg:$0x0];
	v4 =	vadd.s32 v1, v0  }
0x6: {  	s5 =	rddreg [dreg:$0x1];
	s6 =	sshrl.u32 s1, $0x5;
	v5 =	vshrl.u32 v4, $0x5  }
0x7: {  	s2 =	rddreg [dreg:$0x2];
	s6 =	sand.u32 $0x3F8, s6;
	v6 =	vmul.u32 $0x147B, v5  }
0x8: {  	s24 =	simm.s32 $0x120;
	s25 =	simm.s32 $0xFA0;
	s6 =	smin.u32 s6, $0x3A0  }
0x9: {  	s26 =	simm.s32 $0x1;
	[smem:$0x7FF] =	sst s3;
	v0 =	vand.u32 $0x3, v2;
	s7 =	sshrl.u32 s6, $0x1;
	v3 =	vmov s6;
	v6 =	vshra.s32 v6, $0x13  }
0xa: {  	s1 =	rddreg [dreg:$0x3];
	_ =	strace $0x80000047;
	v4 =	vand.u32 $0x1F, v4;
	s5 =	sadd.s32 s5, s7;
	v7 =	vsub.s32 v5, v3;
	v6 =	vmul.u32 $0x3FFFFF9C, v6  }
0xb: {  	v9 =	vmul.u32 $0x120, v4;
	v4 =	vmul.u32 $0x190, v4;
	[tilespmem:s3], [sflag:$0x1] =	stream.strided.gather [hbm4b:s5+s24], $0x2400, s25, s24, $0x38;
	v7 =	vshll.u32 v7, $0x2;
	[tilespmem:$0x7540] =	vst v63  }
0xc: {  	v8 =	vor.u32 v0, v7;
	_ =	swait.ge [sflag:s26], $0x2400;
	v7 =	vand.u32 $0xFFFFFFF8, v7;
	v5 =	vadd.s32 v5, v6  }
0xd: {  	s29 =	simm.s32 $0x10;
	v8 =	vand.u32 $0x7, v8;
	[sflag:s26] =	ssyncset.done $0x0;
	v6 =	vadd.s32 v9, v7;
	v5 =	vshll.u32 v5, $0x2  }
0xe: {  	s28 =	sadd.s32 $0x1200, s4;
	s4 =	simm.s32 $0x2400;
	[sflag:s26] =	ssyncadd.s32 $0xFFFFDC00;
	v6 =	vor.u32 v8, v6;
	v7 =	vor.u32 v0, v5;
	v5 =	vand.u32 $0xFFFFFFF8, v5  }
0xf: {  	[tilespmem:s4], [sflag:$0x1] =	stream.linear.gather [hbm4b:s28+s3], $0x3200, $0x38;
	v7 =	vand.u32 $0x7, v7;
	v4 =	vadd.s32 v4, v5;
	v5 =	vor.u32 s29, v2;
	[tilespmem:$0x7540] =	vst v63  }
0x10: {  	_ =	swait.ge [sflag:s26], $0x3200;
	v4 =	vor.u32 v7, v4;
	v5 =	vshrl.u32 v5, $0x2  }
0x11: {  	[sflag:s26] =	ssyncset.done $0x0;
	v5 =	vadd.s32 v1, v5  }
0x12: {  	[sflag:s26] =	ssyncadd.s32 $0xFFFFCE00;
	v7 =	vshrl.u32 v5, $0x5  }
0x13: {  	v6 =	vld.idx.msk [tilespmem:v6+s3+$0x0], $0xffff;
	v8 =	vmul.u32 $0x147B, v7  }
0x14: {  	v57 =	vsub.s32 v7, v3  }
0x15: {  	v5 =	vand.u32 $0x1F, v5;
	v9 =	vshll.u32 v57, $0x2;
	v4 =	vld.idx.msk [tilespmem:v4+s4+$0x0], $0xffff;
	v8 =	vshra.s32 v8, $0x13  }
0x16: {  	v11 =	vmul.u32 $0x120, v5;
	v10 =	vor.u32 v0, v9;
	v8 =	vmul.u32 $0x3FFFFF9C, v8  }
0x17: {  	v9 =	vand.u32 $0xFFFFFFF8, v9;
	v10 =	vand.u32 $0x7, v10  }
0x18: {  	v6 =	vmul.f32 $5.000000000e-01, v6;
	v7 =	vadd.s32 v7, v8;
	v8 =	vadd.s32 v11, v9  }
0x19: {  	v5 =	vmul.u32 $0x190, v5;
	v7 =	vshll.u32 v7, $0x2;
	v8 =	vor.u32 v10, v8  }
0x1a: {  	s30 =	simm.s32 $0x20;
	v58 =	vor.u32 v0, v7;
	v7 =	vand.u32 $0xFFFFFFF8, v7;
	v4 =	vadd.f32 v6, v4  }
0x1b: {  	v6 =	vand.u32 $0x7, v58;
	v5 =	vadd.s32 v5, v7;
	v7 =	vor.u32 s30, v2  }
0x1c: {  	v5 =	vor.u32 v6, v5;
	v4 =	vmax.f32 v4, $0.0e+00;
	v6 =	vshrl.u32 v7, $0x2  }
0x1d: {  	s5 =	simm.s32 $0x5600;
	v4 =	vmin.f32 v4, $1.000000000e+00;
	v6 =	vadd.s32 v1, v6  }
0x1e: {  	[tilespmem:s5+$0x0] =	vst v4;
	v4 =	vshrl.u32 v6, $0x5  }
0x1f: {  	v7 =	vld.idx.msk [tilespmem:v8+s3+$0x0], $0xffff;
	v8 =	vmul.u32 $0x147B, v4;
	_ =	sdelay $0x1  }
0x20: {  	v8 =	vshra.s32 v8, $0x13  }
0x21: {  	v6 =	vand.u32 $0x1F, v6;
	v59 =	vsub.s32 v4, v3;
	v5 =	vld.idx.msk [tilespmem:v5+s4+$0x0], $0xffff;
	v8 =	vmul.u32 $0x3FFFFF9C, v8  }
0x22: {  	v61 =	vmul.u32 $0x120, v6;
	v9 =	vshll.u32 v59, $0x2  }
0x23: {  	v6 =	vmul.u32 $0x190, v6;
	v60 =	vor.u32 v0, v9;
	v4 =	vadd.s32 v4, v8  }
0x24: {  	v9 =	vand.u32 $0xFFFFFFF8, v9;
	v7 =	vmul.f32 $5.000000000e-01, v7;
	v4 =	vshll.u32 v4, $0x2  }
0x25: {  	v10 =	vand.u32 $0x7, v60;
	v8 =	vadd.s32 v61, v9;
	v62 =	vor.u32 v0, v4  }
0x26: {  	v63 =	vand.u32 $0xFFFFFFF8, v4;
	v7 =	vadd.f32 v7, v5;
	v4 =	vor.u32 v10, v8  }
0x27: {  	s31 =	simm.s32 $0x30;
	v5 =	vand.u32 $0x7, v62;
	v8 =	vadd.s32 v6, v63  }
0x28: {  	s6 =	simm.s32 $0x40;
	v6 =	vor.u32 s31, v2;
	v5 =	vor.u32 v5, v8;
	v7 =	vmax.f32 v7, $0.0e+00  }
.LBB2_1:
0x29: {  	p0 =	sne.s32 s6, $0x1F30;
	v6 =	vshrl.u32 v6, $0x2;
	v7 =	vmin.f32 v7, $1.000000000e+00;
	s5 =	sadd.s32 $0x10, s5  }
0x2a: {  	v6 =	vadd.s32 v1, v6;
	[tilespmem:s5+$0x0] =	vst v7  }
0x2b: {  	v7 =	vshrl.u32 v6, $0x5;
	v4 =	vld.idx.msk [tilespmem:v4+s3+$0x0], $0xffff  }
0x2c: {  	v8 =	vmul.u32 $0x147B, v7  }
0x2d: {  	v9 =	vsub.s32 v7, v3;
	v5 =	vld.idx.msk [tilespmem:v5+s4+$0x0], $0xffff  }
0x2e: {  	v6 =	vand.u32 $0x1F, v6;
	v9 =	vshll.u32 v9, $0x2;
	v8 =	vshra.s32 v8, $0x13  }
0x2f: {  	v11 =	vmul.u32 $0x120, v6;
	v10 =	vor.u32 v0, v9;
	v8 =	vmul.u32 $0x3FFFFF9C, v8  }
0x30: {  	v9 =	vand.u32 $0xFFFFFFF8, v9;
	v10 =	vand.u32 $0x7, v10  }
.Ltmp0:
0x31: {  	v7 =	vadd.s32 v7, v8;
	v8 =	vadd.s32 v11, v9;
	v9 =	vmul.f32 $5.000000000e-01, v4;
	(pc) =	sbr.rel @p0 .LBB2_1-.Ltmp0, $4  }
0x32: {  	v6 =	vmul.u32 $0x190, v6;
	v7 =	vshll.u32 v7, $0x2;
	v4 =	vor.u32 v10, v8  }
0x33: {  	v8 =	vor.u32 v0, v7;
	v7 =	vand.u32 $0xFFFFFFF8, v7;
	v9 =	vadd.f32 v9, v5  }
0x34: {  	v5 =	vand.u32 $0x7, v8;
	v7 =	vadd.s32 v6, v7  }
0x35: {  	v6 =	vor.u32 s6, v2;
	s6 =	sadd.s32 $0x10, s6;
	v5 =	vor.u32 v5, v7;
	v7 =	vmax.f32 v9, $0.0e+00  }
0x36: {  	_ = 	snop  }
0x37: {  	v2 =	vshrl.u32 v6, $0x2  }
0x38: {  	v59 =	vmin.f32 v7, $1.000000000e+00;
	s5 =	sadd.s32 $0x10, s5;
	v1 =	vadd.s32 v1, v2  }
0x39: {  	[tilespmem:s5+$0x0] =	vst v59;
	v2 =	vshrl.u32 v1, $0x5  }
0x3a: {  	v4 =	vld.idx.msk [tilespmem:v4+s3+$0x0], $0xffff;
	v60 =	vmul.u32 $0x147B, v2  }
0x3b: {  	v3 =	vsub.s32 v2, v3  }
0x3c: {  	v5 =	vld.idx.msk [tilespmem:v5+s4+$0x0], $0xffff;
	v1 =	vand.u32 $0x1F, v1;
	v3 =	vshll.u32 v3, $0x2;
	v6 =	vshra.s32 v60, $0x13  }
0x3d: {  	v8 =	vmul.u32 $0x120, v1;
	v61 =	vor.u32 v0, v3;
	v6 =	vmul.u32 $0x3FFFFF9C, v6  }
0x3e: {  	v3 =	vand.u32 $0xFFFFFFF8, v3;
	v7 =	vand.u32 $0x7, v61  }
0x3f: {  	v3 =	vadd.s32 v8, v3;
	v4 =	vmul.f32 $5.000000000e-01, v4;
	v2 =	vadd.s32 v2, v6  }
0x40: {  	v1 =	vmul.u32 $0x190, v1;
	v3 =	vor.u32 v7, v3;
	v2 =	vshll.u32 v2, $0x2  }
0x41: {  	v4 =	vadd.f32 v4, v5;
	v62 =	vor.u32 v0, v2;
	v2 =	vand.u32 $0xFFFFFFF8, v2  }
0x42: {  	v0 =	vand.u32 $0x7, v62;
	v1 =	vadd.s32 v1, v2  }
0x43: {  	v63 =	vmax.f32 v4, $0.0e+00;
	v0 =	vor.u32 v0, v1  }
0x44: {  	s5 =	sadd.s32 $0x10, s5;
	v1 =	vmin.f32 v63, $1.000000000e+00  }
0x45: {  	[tilespmem:s5+$0x0] =	vst v1  }
0x46: {  	v1 =	vld.idx.msk [tilespmem:v3+s3+$0x0], $0xffff;
	_ =	sdelay $0x1  }
0x47: {  	v0 =	vld.idx.msk [tilespmem:v0+s4+$0x0], $0xffff;
	_ =	sdelay $0x2  }
0x48: {  	v1 =	vmul.f32 $5.000000000e-01, v1;
	_ =	sdelay $0x1  }
0x49: {  	v0 =	vadd.f32 v1, v0;
	_ =	sdelay $0x1  }
0x4a: {  	s26 =	smul.u32 $0x3E8, s0;
	v0 =	vmax.f32 v0, $0.0e+00  }
0x4b: {  	s29 =	simm.s32 $0x0;
	s28 =	sadd.s32 $0x10, s5;
	v0 =	vmin.f32 v0, $1.000000000e+00  }
0x4c: {  	s30 =	simm.s32 $0x5600;
	s31 =	simm.s32 $0x1;
	s2 =	sadd.s32 s2, s26;
	[tilespmem:s28+$0x0] =	vst v0  }
0x4d: {  	[hbm4b:s2+s29] =	stream.linear.scatter [tilespmem:s30], [sflag:$0x1], $0x1F40, $0x38;
	[tilespmem:$0x7540] =	vst v63  }
0x4e: {  	_ =	swait.ge [sflag:s31], $0x1F40  }
0x4f: {  	[sflag:s31] =	ssyncset.done $0x0  }
0x50: {  	[sflag:s31] =	ssyncadd.s32 $0xFFFFE0C0  }
0x51: {  	_ =	sfence.sel $0x180000  }
0x52: {  	[bflag:$0x0] =	sbarrier.arrive $0xFFFF  }
0x53: {  	p0 =	sne.s32 s0, $0x0;
	_ =	strace $0x90000047  }
0x54: {  	s0 =	sadd.s32 @!p0 $0x100000, s1;
	[bflag:$0x2] =	sbarrier.arrive $0xFFFF  }
0x55: {  	[sflag:s0] =	ssyncadd.tile.s32 @!p0 $0x1;
	_ =	shalt  }
.Lfunc_end2:
_tile_overlayer_lowered:
.L_overlay_start_2:
0x56: {  	(tag) =	ssettag $0x2  }
0x57: {  	s0 =	rddreg [dreg:$0x0];
	s2 =	stileid.u32  }
0x58: {  	s1 =	rddreg [dreg:$0x1];
	p0 =	sne.s32 s2, $0x0  }
0x59: {  	s3 =	rddreg [dreg:$0x2];
	[bflag:$0x3] =	sbarrier.arrive $0xFFFF;
	s2 =	simm.s32 @!p0 $0x1C01  }
0x5a: {  	[timem:s3], [sflag:s2] =	dma.local @!p0 [hbm:s0], s1  }
0x5b: {  	s0 =	simm.s32 @!p0 $0x1  }
0x5c: {  	_ =	swait.ge @!p0 [sflag:s0], s1  }
0x5d: {  	s1 =	ssub.s32 @!p0 $0x0, s1;
	[sflag:s0] =	ssyncset.done @!p0 $0x0  }
0x5e: {  	[sflag:s0] =	ssyncadd.s32 @!p0 s1  }
0x5f: {  	[bflag:$0x3] =	sbarrier.arrive $0xFFFF  }
0x60: {  	_ =	shalt  }

</sc_bundles>
